<compile_context>
chip_gen: v7x
topology: tpu7x:2x2x1
jax: 0.10.2.dev20260603
libtpu: 0.0.44.dev20260713+nightly
codegen_flags: <defaults>
</compile_context>

<pallas_src>
import functools

import jax
import jax.numpy as jnp
from jax import lax
from jax.experimental import pallas as pl
from jax.experimental.pallas import tpu as pltpu
from jax.experimental.pallas import tpu_sc as plsc

N = 8192
K = 16
L = 16
NSUB = 32
QPW = N // NSUB
NCHUNK = N // L
CBUF = N


def _sqrt_nr(x):
    xs = jnp.maximum(x, jnp.float32(1e-35))
    i = lax.bitcast_convert_type(xs, jnp.int32)
    i = jnp.int32(0x5F3759DF) - lax.shift_right_arithmetic(i, 1)
    y = lax.bitcast_convert_type(i, jnp.float32)
    for _ in range(3):
        y = y * (jnp.float32(1.5) - jnp.float32(0.5) * xs * y * y)
    return x * y


def _merge16(bd, bi, d2, ci):
    sd, si = plsc.sort_key_val(d2, ci)
    rb_d = lax.rev(bd, (0,))
    rb_i = lax.rev(bi, (0,))
    sel = sd < rb_d
    md = jnp.where(sel, sd, rb_d)
    mi = jnp.where(sel, si, rb_i)
    nd, ni = plsc.sort_key_val(md, mi)
    return nd, ni


@functools.partial(
    pl.kernel,
    out_type=[jax.ShapeDtypeStruct((N * K,), jnp.float32)] * 4,
    mesh=plsc.VectorSubcoreMesh(core_axis_name="c", subcore_axis_name="s"),
    scratch_types=(
        [pltpu.VMEM((N,), jnp.float32)] * 3
        + [pltpu.VMEM((QPW,), jnp.float32)] * 3
        + [pltpu.VMEM((QPW * K,), jnp.float32)] * 4
        + [pltpu.VMEM((QPW * K,), jnp.int32)]
        + [pltpu.VMEM((CBUF + L,), jnp.float32),
           pltpu.VMEM((CBUF + L,), jnp.int32),
           pltpu.VMEM((N,), jnp.float32),
           pltpu.SemaphoreType.DMA]
    ),
    compiler_params=pltpu.CompilerParams(needs_layout_passes=False),
)
def _knn_sc(qx_h, qy_h, qz_h, kx_h, ky_h, kz_h,
            d_out, x_out, y_out, z_out,
            kx_v, ky_v, kz_v, qx_v, qy_v, qz_v,
            d_buf, x_buf, y_buf, z_buf, i_buf,
            cd_buf, ci_buf, d2_buf, sem):
    wid = lax.axis_index("s") * 2 + lax.axis_index("c")
    base = wid * QPW

    pltpu.sync_copy(kx_h, kx_v)
    pltpu.sync_copy(ky_h, ky_v)
    pltpu.sync_copy(kz_h, kz_v)
    pltpu.sync_copy(qx_h.at[pl.ds(base, QPW)], qx_v)
    pltpu.sync_copy(qy_h.at[pl.ds(base, QPW)], qy_v)
    pltpu.sync_copy(qz_h.at[pl.ds(base, QPW)], qz_v)

    iota = lax.iota(jnp.int32, L)
    inf_v = jnp.full((L,), jnp.inf, jnp.float32)

    def per_query(q, carry):
        qi = jnp.broadcast_to(q, (L,))
        qxs = plsc.load_gather(qx_v, [qi])
        qys = plsc.load_gather(qy_v, [qi])
        qzs = plsc.load_gather(qz_v, [qi])

        def dist2(c):
            kxv = kx_v[pl.ds(c * L, L)]
            kyv = ky_v[pl.ds(c * L, L)]
            kzv = kz_v[pl.ds(c * L, L)]
            dx = qxs - kxv
            dy = qys - kyv
            dz = qzs - kzv
            return dx * dx + dy * dy + dz * dz

        @plsc.parallel_loop(0, NCHUNK, unroll=8, carry=inf_v)
        def pa_min(c, m):
            d2 = dist2(c)
            d2_buf[pl.ds(c * L, L)] = d2
            return jnp.minimum(m, d2)

        m = pa_min
        ms, _ = plsc.sort_key_val(m, iota)
        tau = jnp.broadcast_to(ms[L - 1], (L,))

        zero_v = jnp.zeros((L,), jnp.int32)

        @plsc.parallel_loop(0, NCHUNK, unroll=8, carry=zero_v)
        def pb_scan(c, off):
            d2 = d2_buf[pl.ds(c * L, L)]
            hit = d2 <= tau
            hi = jnp.where(hit, jnp.int32(1), jnp.int32(0))
            pos = off + plsc.cumsum(hi) - 1
            plsc.store_scatter(cd_buf, [pos], d2, mask=hit)
            plsc.store_scatter(ci_buf, [pos], c * L + iota, mask=hit)
            cnt = plsc.all_reduce_population_count(hit)
            return off + cnt

        off = pb_scan
        cnt_end = off[0]
        cd_buf[pl.ds(cnt_end, L)] = inf_v

        nch = lax.div(cnt_end + (L - 1), jnp.int32(L))

        def pc(c, st):
            bd, bi, tau_c = st
            d2 = cd_buf[pl.ds(c * L, L)]
            ci = ci_buf[pl.ds(c * L, L)]
            hit = d2 < tau_c

            def do_merge(args):
                bd, bi, _ = args
                nd, ni = _merge16(bd, bi, d2, ci)
                return nd, ni, jnp.broadcast_to(nd[L - 1], (L,))

            return lax.cond(jnp.any(hit), do_merge, lambda a: a,
                            (bd, bi, tau_c))

        bd, bi, _ = lax.fori_loop(0, nch, pc, (inf_v, iota, inf_v))

        d_buf[pl.ds(q * K, K)] = _sqrt_nr(bd)
        i_buf[pl.ds(q * K, K)] = bi
        return carry

    lax.fori_loop(0, QPW, per_query, 0)

    pltpu.async_copy(kx_h.at[i_buf], x_buf, sem).wait()
    pltpu.async_copy(ky_h.at[i_buf], y_buf, sem).wait()
    pltpu.async_copy(kz_h.at[i_buf], z_buf, sem).wait()

    pltpu.sync_copy(d_buf, d_out.at[pl.ds(base * K, QPW * K)])
    pltpu.sync_copy(x_buf, x_out.at[pl.ds(base * K, QPW * K)])
    pltpu.sync_copy(y_buf, y_out.at[pl.ds(base * K, QPW * K)])
    pltpu.sync_copy(z_buf, z_out.at[pl.ds(base * K, QPW * K)])


def kernel(pcl_query, pcl_key):
    qt = pcl_query.T
    kt = pcl_key.T
    d, x, y, z = _knn_sc(qt[0], qt[1], qt[2], kt[0], kt[1], kt[2])
    dists = d.reshape(N, K)
    pcl = jnp.stack([x.reshape(N, K), y.reshape(N, K), z.reshape(N, K)],
                    axis=-1)
    return (pcl, dists)

# --- scband reference (transcript-rebuilt; emitter-appended) ---
"""Pipeline reference for scband-guided-implicit-point-sampler-25580825215054 (READ-ONLY COPY).

The authoritative reference and input builder live on the scoring server;
editing this copy changes nothing except your own understanding.
"""

import jax, jax.numpy as jnp
import numpy as np

NUM_NEIGHBORS = 16


def setup_inputs(seed: int = 0) -> dict:
    key = jax.random.key(seed)
    k1, k2 = jax.random.split(key)
    pcl_query = jax.random.normal(k1, (8192, 3), dtype=jnp.float32) * 8.0
    pcl_key = jax.random.normal(k2, (8192, 3), dtype=jnp.float32) * 8.0
    return {"pcl_query": pcl_query, "pcl_key": pcl_key}


def reference(pcl_query, pcl_key):
    # my_knn_torch: all-pairs Euclidean distances, then k smallest per query.
    # diffs: (M, N, 3) = key[:, None, :3] vs query[None, :, :3]
    diffs = pcl_query[None, :, :3] - pcl_key[:, None, :3]
    dists = jnp.linalg.norm(diffs, ord=2, axis=-1)  # (M, N)
    # torch: dists.topk(k, dim=0, largest=False) -> smallest along key axis.
    # Use lax.top_k on negated, transposed distances (top_k works on last axis).
    neg_vals, inds_qtk = jax.lax.top_k(-dists.T, NUM_NEIGHBORS)  # (N, K) each
    dists_qtk = -neg_vals  # (N, K), ascending distances
    pcl_qtk = pcl_key[inds_qtk]  # (N, K, 3) gather of neighbor coordinates
    # return_knn=True, return_dists=True, return_inds=False
    return (pcl_qtk, dists_qtk)

if __name__ == "__main__":
    import jax
    _d = setup_inputs()
    print(jax.jit(kernel)(*tuple(_d.values())))

</pallas_src>

<mosaic_0001>
#map = affine_map<(d0, d1) -> (0)>
module attributes {stable_mosaic.version = 14 : i64} {
  func.func @_knn_sc(%arg0: i32, %arg1: i32, %arg2: memref<8192xf32, #tpu.memory_space<hbm>>, %arg3: memref<8192xf32, #tpu.memory_space<hbm>>, %arg4: memref<8192xf32, #tpu.memory_space<hbm>>, %arg5: memref<8192xf32, #tpu.memory_space<hbm>>, %arg6: memref<8192xf32, #tpu.memory_space<hbm>>, %arg7: memref<8192xf32, #tpu.memory_space<hbm>>, %arg8: memref<131072xf32, #tpu.memory_space<hbm>>, %arg9: memref<131072xf32, #tpu.memory_space<hbm>>, %arg10: memref<131072xf32, #tpu.memory_space<hbm>>, %arg11: memref<131072xf32, #tpu.memory_space<hbm>>, %arg12: memref<8192xf32, #tpu.memory_space<vmem>>, %arg13: memref<8192xf32, #tpu.memory_space<vmem>>, %arg14: memref<8192xf32, #tpu.memory_space<vmem>>, %arg15: memref<256xf32, #tpu.memory_space<vmem>>, %arg16: memref<256xf32, #tpu.memory_space<vmem>>, %arg17: memref<256xf32, #tpu.memory_space<vmem>>, %arg18: memref<4096xf32, #tpu.memory_space<vmem>>, %arg19: memref<4096xf32, #tpu.memory_space<vmem>>, %arg20: memref<4096xf32, #tpu.memory_space<vmem>>, %arg21: memref<4096xf32, #tpu.memory_space<vmem>>, %arg22: memref<4096xi32, #tpu.memory_space<vmem>>, %arg23: memref<8208xf32, #tpu.memory_space<vmem>>, %arg24: memref<8208xi32, #tpu.memory_space<vmem>>, %arg25: memref<8192xf32, #tpu.memory_space<vmem>>, %arg26: memref<!tpu.dma_semaphore, #tpu.memory_space<semaphore_mem>>) attributes {dimension_semantics = [#tpu.dimension_semantics<core_parallel>, #tpu.dimension_semantics<subcore_parallel>], iteration_bounds = array<i64: 2, 16>, scalar_prefetch = 0 : i64, scratch_operands = 15 : i64, tpu.core_type = #tpu.core_type<sc_vector_subcore>, window_params = [{transform_indices = #map}, {transform_indices = #map}, {transform_indices = #map}, {transform_indices = #map}, {transform_indices = #map}, {transform_indices = #map}, {transform_indices = #map}, {transform_indices = #map}, {transform_indices = #map}, {transform_indices = #map}]} {
    %mul3A = arith.constant 2 : i32
    %mul3A_0 = arith.muli %arg1, %mul3A : i32
    %add3A = arith.addi %mul3A_0, %arg0 : i32
    %mul3A_1 = arith.constant 256 : i32
    %mul3A_2 = arith.muli %add3A, %mul3A_1 : i32
    "tpu.region"() ({
      %run_scoped3A = tpu.sem_alloc : memref<!tpu.dma_semaphore, #tpu.memory_space<semaphore_mem>>
      tpu.enqueue_dma source(%arg5 : memref<8192xf32, #tpu.memory_space<hbm>>) target(%arg12 : memref<8192xf32, #tpu.memory_space<vmem>>) target_semaphore(%run_scoped3A : memref<!tpu.dma_semaphore, #tpu.memory_space<semaphore_mem>>)
      tpu.wait_dma2 semaphore(%run_scoped3A : memref<!tpu.dma_semaphore, #tpu.memory_space<semaphore_mem>>) src(%arg5 : memref<8192xf32, #tpu.memory_space<hbm>>) dst(%arg12 : memref<8192xf32, #tpu.memory_space<vmem>>)
      tpu.yield
    }) : () -> ()
    "tpu.region"() ({
      %run_scoped3A = tpu.sem_alloc : memref<!tpu.dma_semaphore, #tpu.memory_space<semaphore_mem>>
      tpu.enqueue_dma source(%arg6 : memref<8192xf32, #tpu.memory_space<hbm>>) target(%arg13 : memref<8192xf32, #tpu.memory_space<vmem>>) target_semaphore(%run_scoped3A : memref<!tpu.dma_semaphore, #tpu.memory_space<semaphore_mem>>)
      tpu.wait_dma2 semaphore(%run_scoped3A : memref<!tpu.dma_semaphore, #tpu.memory_space<semaphore_mem>>) src(%arg6 : memref<8192xf32, #tpu.memory_space<hbm>>) dst(%arg13 : memref<8192xf32, #tpu.memory_space<vmem>>)
      tpu.yield
    }) : () -> ()
    "tpu.region"() ({
      %run_scoped3A = tpu.sem_alloc : memref<!tpu.dma_semaphore, #tpu.memory_space<semaphore_mem>>
      tpu.enqueue_dma source(%arg7 : memref<8192xf32, #tpu.memory_space<hbm>>) target(%arg14 : memref<8192xf32, #tpu.memory_space<vmem>>) target_semaphore(%run_scoped3A : memref<!tpu.dma_semaphore, #tpu.memory_space<semaphore_mem>>)
      tpu.wait_dma2 semaphore(%run_scoped3A : memref<!tpu.dma_semaphore, #tpu.memory_space<semaphore_mem>>) src(%arg7 : memref<8192xf32, #tpu.memory_space<hbm>>) dst(%arg14 : memref<8192xf32, #tpu.memory_space<vmem>>)
      tpu.yield
    }) : () -> ()
    "tpu.region"() ({
      %run_scoped3A = tpu.sem_alloc : memref<!tpu.dma_semaphore, #tpu.memory_space<semaphore_mem>>
      %dma_start3A_27 = tpu.memref_slice %arg2[%mul3A_2] : memref<8192xf32, #tpu.memory_space<hbm>> -> memref<256xf32, #tpu.memory_space<hbm>>
      %dma_start3A_28 = tpu.memref_slice %arg2[%mul3A_2] : memref<8192xf32, #tpu.memory_space<hbm>> -> memref<256xf32, #tpu.memory_space<hbm>>
      tpu.enqueue_dma source(%dma_start3A_28 : memref<256xf32, #tpu.memory_space<hbm>>) target(%arg15 : memref<256xf32, #tpu.memory_space<vmem>>) target_semaphore(%run_scoped3A : memref<!tpu.dma_semaphore, #tpu.memory_space<semaphore_mem>>)
      %dma_wait3A_29 = tpu.memref_slice %arg2[%mul3A_2] : memref<8192xf32, #tpu.memory_space<hbm>> -> memref<256xf32, #tpu.memory_space<hbm>>
      %dma_wait3A_30 = tpu.memref_slice %arg2[%mul3A_2] : memref<8192xf32, #tpu.memory_space<hbm>> -> memref<256xf32, #tpu.memory_space<hbm>>
      tpu.wait_dma2 semaphore(%run_scoped3A : memref<!tpu.dma_semaphore, #tpu.memory_space<semaphore_mem>>) src(%dma_wait3A_30 : memref<256xf32, #tpu.memory_space<hbm>>) dst(%arg15 : memref<256xf32, #tpu.memory_space<vmem>>)
      tpu.yield
    }) : () -> ()
    "tpu.region"() ({
      %run_scoped3A = tpu.sem_alloc : memref<!tpu.dma_semaphore, #tpu.memory_space<semaphore_mem>>
      %dma_start3A_27 = tpu.memref_slice %arg3[%mul3A_2] : memref<8192xf32, #tpu.memory_space<hbm>> -> memref<256xf32, #tpu.memory_space<hbm>>
      %dma_start3A_28 = tpu.memref_slice %arg3[%mul3A_2] : memref<8192xf32, #tpu.memory_space<hbm>> -> memref<256xf32, #tpu.memory_space<hbm>>
      tpu.enqueue_dma source(%dma_start3A_28 : memref<256xf32, #tpu.memory_space<hbm>>) target(%arg16 : memref<256xf32, #tpu.memory_space<vmem>>) target_semaphore(%run_scoped3A : memref<!tpu.dma_semaphore, #tpu.memory_space<semaphore_mem>>)
      %dma_wait3A_29 = tpu.memref_slice %arg3[%mul3A_2] : memref<8192xf32, #tpu.memory_space<hbm>> -> memref<256xf32, #tpu.memory_space<hbm>>
      %dma_wait3A_30 = tpu.memref_slice %arg3[%mul3A_2] : memref<8192xf32, #tpu.memory_space<hbm>> -> memref<256xf32, #tpu.memory_space<hbm>>
      tpu.wait_dma2 semaphore(%run_scoped3A : memref<!tpu.dma_semaphore, #tpu.memory_space<semaphore_mem>>) src(%dma_wait3A_30 : memref<256xf32, #tpu.memory_space<hbm>>) dst(%arg16 : memref<256xf32, #tpu.memory_space<vmem>>)
      tpu.yield
    }) : () -> ()
    "tpu.region"() ({
      %run_scoped3A = tpu.sem_alloc : memref<!tpu.dma_semaphore, #tpu.memory_space<semaphore_mem>>
      %dma_start3A_27 = tpu.memref_slice %arg4[%mul3A_2] : memref<8192xf32, #tpu.memory_space<hbm>> -> memref<256xf32, #tpu.memory_space<hbm>>
      %dma_start3A_28 = tpu.memref_slice %arg4[%mul3A_2] : memref<8192xf32, #tpu.memory_space<hbm>> -> memref<256xf32, #tpu.memory_space<hbm>>
      tpu.enqueue_dma source(%dma_start3A_28 : memref<256xf32, #tpu.memory_space<hbm>>) target(%arg17 : memref<256xf32, #tpu.memory_space<vmem>>) target_semaphore(%run_scoped3A : memref<!tpu.dma_semaphore, #tpu.memory_space<semaphore_mem>>)
      %dma_wait3A_29 = tpu.memref_slice %arg4[%mul3A_2] : memref<8192xf32, #tpu.memory_space<hbm>> -> memref<256xf32, #tpu.memory_space<hbm>>
      %dma_wait3A_30 = tpu.memref_slice %arg4[%mul3A_2] : memref<8192xf32, #tpu.memory_space<hbm>> -> memref<256xf32, #tpu.memory_space<hbm>>
      tpu.wait_dma2 semaphore(%run_scoped3A : memref<!tpu.dma_semaphore, #tpu.memory_space<semaphore_mem>>) src(%dma_wait3A_30 : memref<256xf32, #tpu.memory_space<hbm>>) dst(%arg17 : memref<256xf32, #tpu.memory_space<vmem>>)
      tpu.yield
    }) : () -> ()
    %iota3A = tpu.iota {dimensions = array<i32: 0>} : vector<16xi32>
    %broadcast_in_dim3A = arith.constant 0x7F800000 : f32
    %broadcast_in_dim3A_3 = vector.broadcast %broadcast_in_dim3A : f32 to vector<16xf32>
    %scan3A = arith.constant 0 : i32
    %scan3A_4 = arith.constant 0 : i32
    %scan3A_5 = arith.constant 256 : i32
    %scan3A_6 = arith.addi %scan3A_4, %scan3A_5 : i32
    %scan3A_7 = arith.constant 1 : i32
    scf.for %scan3A_27 = %scan3A_4 to %scan3A_6 step %scan3A_7  : i32 {
      %broadcast_in_dim3A_28 = vector.broadcast %scan3A_27 : i32 to vector<16xi32>
      %gather3A = tpu.vector_load_idx %arg15[%broadcast_in_dim3A_28] : memref<256xf32, #tpu.memory_space<vmem>>[vector<16xi32>], vector<16xf32>,
      %gather3A_29 = tpu.vector_load_idx %arg16[%broadcast_in_dim3A_28] : memref<256xf32, #tpu.memory_space<vmem>>[vector<16xi32>], vector<16xf32>,
      %gather3A_30 = tpu.vector_load_idx %arg17[%broadcast_in_dim3A_28] : memref<256xf32, #tpu.memory_space<vmem>>[vector<16xi32>], vector<16xf32>,
      %parallel_loop3A = arith.constant 0 : i32
      %parallel_loop3A_31 = arith.constant 512 : i32
      %parallel_loop3A_32 = arith.constant 1 : i32
      %parallel_loop3A_33 = scf.for %parallel_loop3A_103 = %parallel_loop3A to %parallel_loop3A_31 step %parallel_loop3A_32 iter_args(%parallel_loop3A_104 = %broadcast_in_dim3A_3) -> (vector<16xf32>)  : i32 {
        %parallel_loop3A_105 = arith.constant 16 : i32
        %parallel_loop3A_106 = arith.muli %parallel_loop3A_103, %parallel_loop3A_105 : i32
        %parallel_loop3A_107 = arith.index_cast %parallel_loop3A_106 : i32 to index
        %parallel_loop3A_108 = tpu.vector_load %arg12[%parallel_loop3A_107] {strides = array<i32>} : memref<8192xf32, #tpu.memory_space<vmem>>, vector<16xf32>,
        %parallel_loop3A_109 = arith.constant 16 : i32
        %parallel_loop3A_110 = arith.muli %parallel_loop3A_103, %parallel_loop3A_109 : i32
        %parallel_loop3A_111 = arith.index_cast %parallel_loop3A_110 : i32 to index
        %parallel_loop3A_112 = tpu.vector_load %arg13[%parallel_loop3A_111] {strides = array<i32>} : memref<8192xf32, #tpu.memory_space<vmem>>, vector<16xf32>,
        %parallel_loop3A_113 = arith.constant 16 : i32
        %parallel_loop3A_114 = arith.muli %parallel_loop3A_103, %parallel_loop3A_113 : i32
        %parallel_loop3A_115 = arith.index_cast %parallel_loop3A_114 : i32 to index
        %parallel_loop3A_116 = tpu.vector_load %arg14[%parallel_loop3A_115] {strides = array<i32>} : memref<8192xf32, #tpu.memory_space<vmem>>, vector<16xf32>,
        %parallel_loop3A_117 = arith.subf %gather3A, %parallel_loop3A_108 : vector<16xf32>
        %parallel_loop3A_118 = arith.subf %gather3A_29, %parallel_loop3A_112 : vector<16xf32>
        %parallel_loop3A_119 = arith.subf %gather3A_30, %parallel_loop3A_116 : vector<16xf32>
        %parallel_loop3A_120 = arith.mulf %parallel_loop3A_117, %parallel_loop3A_117 : vector<16xf32>
        %parallel_loop3A_121 = arith.mulf %parallel_loop3A_118, %parallel_loop3A_118 : vector<16xf32>
        %parallel_loop3A_122 = arith.addf %parallel_loop3A_120, %parallel_loop3A_121 : vector<16xf32>
        %parallel_loop3A_123 = arith.mulf %parallel_loop3A_119, %parallel_loop3A_119 : vector<16xf32>
        %parallel_loop3A_124 = arith.addf %parallel_loop3A_122, %parallel_loop3A_123 : vector<16xf32>
        %parallel_loop3A_125 = arith.constant 16 : i32
        %parallel_loop3A_126 = arith.muli %parallel_loop3A_103, %parallel_loop3A_125 : i32
        %parallel_loop3A_127 = arith.index_cast %parallel_loop3A_126 : i32 to index
        %parallel_loop3A_128 = tpu.vector_load %arg25[%parallel_loop3A_127] {strides = array<i32>} : memref<8192xf32, #tpu.memory_space<vmem>>, vector<16xf32>,
        tpu.vector_store %arg25[%parallel_loop3A_127], %parallel_loop3A_124 {strides = array<i32>} : memref<8192xf32, #tpu.memory_space<vmem>>, vector<16xf32>,
        %parallel_loop3A_129 = arith.minimumf %parallel_loop3A_104, %parallel_loop3A_124 : vector<16xf32>
        scf.yield %parallel_loop3A_129 : vector<16xf32>
      } {sc.loop_unroll_factor = 8 : i64, sc.parallel_access}
      %masked_sort3A = arith.constant dense<true> : vector<16xi1>
      %masked_sort3A_34, %masked_sort3A_35, %masked_sort3A_36 = tpu.sort %parallel_loop3A_33, %iota3A masked %masked_sort3A : (vector<16xf32>, vector<16xi32>, vector<16xi1>) -> (vector<16xi1>, vector<16xf32>, vector<16xi32>)
      %slice3A = vector.extract_strided_slice %masked_sort3A_35 {offsets = [15], sizes = [1], strides = [1]} : vector<16xf32> to vector<1xf32>
      %squeeze3A = vector.extract %slice3A[0] : f32 from vector<1xf32>
      %broadcast_in_dim3A_37 = vector.broadcast %squeeze3A : f32 to vector<16xf32>
      %broadcast_in_dim3A_38 = arith.constant 0 : i32
      %broadcast_in_dim3A_39 = vector.broadcast %broadcast_in_dim3A_38 : i32 to vector<16xi32>
      %parallel_loop3A_40 = arith.constant 0 : i32
      %parallel_loop3A_41 = arith.constant 512 : i32
      %parallel_loop3A_42 = arith.constant 1 : i32
      %parallel_loop3A_43 = scf.for %parallel_loop3A_103 = %parallel_loop3A_40 to %parallel_loop3A_41 step %parallel_loop3A_42 iter_args(%parallel_loop3A_104 = %broadcast_in_dim3A_39) -> (vector<16xi32>)  : i32 {
        %parallel_loop3A_105 = arith.constant 16 : i32
        %parallel_loop3A_106 = arith.muli %parallel_loop3A_103, %parallel_loop3A_105 : i32
        %parallel_loop3A_107 = arith.index_cast %parallel_loop3A_106 : i32 to index
        %parallel_loop3A_108 = tpu.vector_load %arg25[%parallel_loop3A_107] {strides = array<i32>} : memref<8192xf32, #tpu.memory_space<vmem>>, vector<16xf32>,
        %parallel_loop3A_109 = arith.cmpf ole, %parallel_loop3A_108, %broadcast_in_dim3A_37 : vector<16xf32>
        %parallel_loop3A_110 = arith.constant 1 : i32
        %parallel_loop3A_111 = arith.constant 0 : i32
        %parallel_loop3A_112 = vector.broadcast %parallel_loop3A_110 : i32 to vector<16xi32>
        %parallel_loop3A_113 = vector.broadcast %parallel_loop3A_111 : i32 to vector<16xi32>
        %parallel_loop3A_114 = arith.select %parallel_loop3A_109, %parallel_loop3A_112, %parallel_loop3A_113 : vector<16xi1>, vector<16xi32>
        %parallel_loop3A_115 = arith.constant true
        %parallel_loop3A_116 = vector.broadcast %parallel_loop3A_115 : i1 to vector<16xi1>
        %parallel_loop3A_117 = tpu.scan <sum>, %parallel_loop3A_114 masked %parallel_loop3A_116 : vector<16xi32>, vector<16xi1> -> vector<16xi32>
        %parallel_loop3A_118 = arith.addi %parallel_loop3A_104, %parallel_loop3A_117 : vector<16xi32>
        %parallel_loop3A_119 = arith.constant 1 : i32
        %parallel_loop3A_120 = vector.broadcast %parallel_loop3A_119 : i32 to vector<16xi32>
        %parallel_loop3A_121 = arith.subi %parallel_loop3A_118, %parallel_loop3A_120 : vector<16xi32>
        tpu.vector_store_idx %arg23[%parallel_loop3A_121], %parallel_loop3A_108 masked %parallel_loop3A_109 : memref<8208xf32, #tpu.memory_space<vmem>>[vector<16xi32>], vector<16xf32>, vector<16xi1>
        %parallel_loop3A_122 = arith.constant 16 : i32
        %parallel_loop3A_123 = arith.muli %parallel_loop3A_103, %parallel_loop3A_122 : i32
        %parallel_loop3A_124 = vector.broadcast %parallel_loop3A_123 : i32 to vector<16xi32>
        %parallel_loop3A_125 = arith.addi %parallel_loop3A_124, %iota3A : vector<16xi32>
        tpu.vector_store_idx %arg24[%parallel_loop3A_121], %parallel_loop3A_125 masked %parallel_loop3A_109 : memref<8208xi32, #tpu.memory_space<vmem>>[vector<16xi32>], vector<16xi32>, vector<16xi1>
        %parallel_loop3A_126 = tpu.all_reduce %parallel_loop3A_109 {dim = 0 : i64, kind = #tpu.reduction_kind<sum>} : vector<16xi1> -> vector<16xi32>
        %parallel_loop3A_127 = arith.addi %parallel_loop3A_104, %parallel_loop3A_126 : vector<16xi32>
        scf.yield %parallel_loop3A_127 : vector<16xi32>
      } {sc.loop_unroll_factor = 8 : i64, sc.parallel_access}
      %slice3A_44 = vector.extract_strided_slice %parallel_loop3A_43 {offsets = [0], sizes = [1], strides = [1]} : vector<16xi32> to vector<1xi32>
      %squeeze3A_45 = vector.extract %slice3A_44[0] : i32 from vector<1xi32>
      %swap3A = arith.index_cast %squeeze3A_45 : i32 to index
      %swap3A_46 = tpu.vector_load %arg23[%swap3A] {strides = array<i32>} : memref<8208xf32, #tpu.memory_space<vmem>>, vector<16xf32>,
      tpu.vector_store %arg23[%swap3A], %broadcast_in_dim3A_3 {strides = array<i32>} : memref<8208xf32, #tpu.memory_space<vmem>>, vector<16xf32>,
      %add3A_47 = arith.constant 15 : i32
      %add3A_48 = arith.addi %squeeze3A_45, %add3A_47 : i32
      %div3A = arith.constant 16 : i32
      %div3A_49 = arith.divsi %add3A_48, %div3A : i32
      %while3A = arith.constant 0 : i32
      %while3A_50 = arith.subi %div3A_49, %while3A : i32
      %while3A_51 = arith.addi %while3A, %while3A_50 : i32
      %while3A_52 = arith.constant 1 : i32
      %while3A_53 = arith.divsi %while3A_50, %while3A_52 : i32
      %while3A_54 = arith.muli %while3A_53, %while3A_52 : i32
      %while3A_55 = arith.addi %while3A, %while3A_54 : i32
      %while3A_56 = arith.constant 1 : i32
      %while3A_57:3 = scf.for %while3A_103 = %while3A to %while3A_55 step %while3A_56 iter_args(%while3A_104 = %broadcast_in_dim3A_3, %while3A_105 = %iota3A, %while3A_106 = %broadcast_in_dim3A_3) -> (vector<16xf32>, vector<16xi32>, vector<16xf32>)  : i32 {
        %mul3A_107 = arith.constant 16 : i32
        %mul3A_108 = arith.muli %while3A_103, %mul3A_107 : i32
        %get3A = arith.index_cast %mul3A_108 : i32 to index
        %get3A_109 = tpu.vector_load %arg23[%get3A] {strides = array<i32>} : memref<8208xf32, #tpu.memory_space<vmem>>, vector<16xf32>,
        %mul3A_110 = arith.constant 16 : i32
        %mul3A_111 = arith.muli %while3A_103, %mul3A_110 : i32
        %get3A_112 = arith.index_cast %mul3A_111 : i32 to index
        %get3A_113 = tpu.vector_load %arg24[%get3A_112] {strides = array<i32>} : memref<8208xi32, #tpu.memory_space<vmem>>, vector<16xi32>,
        %lt3A = arith.cmpf olt, %get3A_109, %while3A_106 : vector<16xf32>
        %reduce_or3A = arith.constant 1.000000e+00 : f32
        %reduce_or3A_114 = arith.constant 0.000000e+00 : f32
        %reduce_or3A_115 = vector.broadcast %reduce_or3A : f32 to vector<16xf32>
        %reduce_or3A_116 = vector.broadcast %reduce_or3A_114 : f32 to vector<16xf32>
        %reduce_or3A_117 = arith.select %lt3A, %reduce_or3A_115, %reduce_or3A_116 : vector<16xi1>, vector<16xf32>
        %reduce_or3A_118 = arith.constant true
        %reduce_or3A_119 = vector.broadcast %reduce_or3A_118 : i1 to vector<16xi1>
        %reduce_or3A_120 = tpu.scan <max>, %reduce_or3A_117 masked %reduce_or3A_119 : vector<16xf32>, vector<16xi1> -> vector<16xf32>
        %reduce_or3A_121 = vector.extract %reduce_or3A_120[15] : f32 from vector<16xf32>
        %reduce_or3A_122 = arith.constant 0.000000e+00 : f32
        %reduce_or3A_123 = arith.cmpf ogt, %reduce_or3A_121, %reduce_or3A_122 : f32
        %convert_element_type3A = arith.extui %reduce_or3A_123 : i1 to i32
        %cond3A = arith.constant 0 : i32
        %cond3A_124 = arith.cmpi ne, %convert_element_type3A, %cond3A : i32
        %cond3A_125:3 = scf.if %cond3A_124 -> (vector<16xf32>, vector<16xi32>, vector<16xf32>) {
          %masked_sort3A_126 = arith.constant dense<true> : vector<16xi1>
          %masked_sort3A_127, %masked_sort3A_128, %masked_sort3A_129 = tpu.sort %get3A_109, %get3A_113 masked %masked_sort3A_126 : (vector<16xf32>, vector<16xi32>, vector<16xi1>) -> (vector<16xi1>, vector<16xf32>, vector<16xi32>)
          %rev3A = arith.constant 15 : i32
          %rev3A_130 = vector.broadcast %rev3A : i32 to vector<16xi32>
          %rev3A_131 = tpu.iota {dimensions = array<i32: 0>} : vector<16xi32>
          %rev3A_132 = arith.subi %rev3A_130, %rev3A_131 : vector<16xi32>
          %rev3A_133 = tpu.dynamic_gather %while3A_104[%rev3A_132] in [0] : vector<16xf32>, vector<16xi32> -> vector<16xf32>
          %rev3A_134 = arith.constant 15 : i32
          %rev3A_135 = vector.broadcast %rev3A_134 : i32 to vector<16xi32>
          %rev3A_136 = tpu.iota {dimensions = array<i32: 0>} : vector<16xi32>
          %rev3A_137 = arith.subi %rev3A_135, %rev3A_136 : vector<16xi32>
          %rev3A_138 = tpu.dynamic_gather %while3A_105[%rev3A_137] in [0] : vector<16xi32>, vector<16xi32> -> vector<16xi32>
          %lt3A_139 = arith.cmpf olt, %masked_sort3A_128, %rev3A_133 : vector<16xf32>
          %select_n3A = arith.select %lt3A_139, %masked_sort3A_128, %rev3A_133 : vector<16xi1>, vector<16xf32>
          %select_n3A_140 = arith.select %lt3A_139, %masked_sort3A_129, %rev3A_138 : vector<16xi1>, vector<16xi32>
          %masked_sort3A_141 = arith.constant dense<true> : vector<16xi1>
          %masked_sort3A_142, %masked_sort3A_143, %masked_sort3A_144 = tpu.sort %select_n3A, %select_n3A_140 masked %masked_sort3A_141 : (vector<16xf32>, vector<16xi32>, vector<16xi1>) -> (vector<16xi1>, vector<16xf32>, vector<16xi32>)
          %slice3A_145 = vector.extract_strided_slice %masked_sort3A_143 {offsets = [15], sizes = [1], strides = [1]} : vector<16xf32> to vector<1xf32>
          %squeeze3A_146 = vector.extract %slice3A_145[0] : f32 from vector<1xf32>
          %broadcast_in_dim3A_147 = vector.broadcast %squeeze3A_146 : f32 to vector<16xf32>
          scf.yield %masked_sort3A_143, %masked_sort3A_144, %broadcast_in_dim3A_147 : vector<16xf32>, vector<16xi32>, vector<16xf32>
        } else {
          scf.yield %while3A_104, %while3A_105, %while3A_106 : vector<16xf32>, vector<16xi32>, vector<16xf32>
        }
        scf.yield %cond3A_125#0, %cond3A_125#1, %cond3A_125#2 : vector<16xf32>, vector<16xi32>, vector<16xf32>
      }
      %while3A_58 = arith.constant 1 : i32
      %while3A_59:3 = scf.for %while3A_103 = %while3A_55 to %while3A_51 step %while3A_58 iter_args(%while3A_104 = %while3A_57#0, %while3A_105 = %while3A_57#1, %while3A_106 = %while3A_57#2) -> (vector<16xf32>, vector<16xi32>, vector<16xf32>)  : i32 {
        %mul3A_107 = arith.constant 16 : i32
        %mul3A_108 = arith.muli %while3A_103, %mul3A_107 : i32
        %get3A = arith.index_cast %mul3A_108 : i32 to index
        %get3A_109 = tpu.vector_load %arg23[%get3A] {strides = array<i32>} : memref<8208xf32, #tpu.memory_space<vmem>>, vector<16xf32>,
        %mul3A_110 = arith.constant 16 : i32
        %mul3A_111 = arith.muli %while3A_103, %mul3A_110 : i32
        %get3A_112 = arith.index_cast %mul3A_111 : i32 to index
        %get3A_113 = tpu.vector_load %arg24[%get3A_112] {strides = array<i32>} : memref<8208xi32, #tpu.memory_space<vmem>>, vector<16xi32>,
        %lt3A = arith.cmpf olt, %get3A_109, %while3A_106 : vector<16xf32>
        %reduce_or3A = arith.constant 1.000000e+00 : f32
        %reduce_or3A_114 = arith.constant 0.000000e+00 : f32
        %reduce_or3A_115 = vector.broadcast %reduce_or3A : f32 to vector<16xf32>
        %reduce_or3A_116 = vector.broadcast %reduce_or3A_114 : f32 to vector<16xf32>
        %reduce_or3A_117 = arith.select %lt3A, %reduce_or3A_115, %reduce_or3A_116 : vector<16xi1>, vector<16xf32>
        %reduce_or3A_118 = arith.constant true
        %reduce_or3A_119 = vector.broadcast %reduce_or3A_118 : i1 to vector<16xi1>
        %reduce_or3A_120 = tpu.scan <max>, %reduce_or3A_117 masked %reduce_or3A_119 : vector<16xf32>, vector<16xi1> -> vector<16xf32>
        %reduce_or3A_121 = vector.extract %reduce_or3A_120[15] : f32 from vector<16xf32>
        %reduce_or3A_122 = arith.constant 0.000000e+00 : f32
        %reduce_or3A_123 = arith.cmpf ogt, %reduce_or3A_121, %reduce_or3A_122 : f32
        %convert_element_type3A = arith.extui %reduce_or3A_123 : i1 to i32
        %cond3A = arith.constant 0 : i32
        %cond3A_124 = arith.cmpi ne, %convert_element_type3A, %cond3A : i32
        %cond3A_125:3 = scf.if %cond3A_124 -> (vector<16xf32>, vector<16xi32>, vector<16xf32>) {
          %masked_sort3A_126 = arith.constant dense<true> : vector<16xi1>
          %masked_sort3A_127, %masked_sort3A_128, %masked_sort3A_129 = tpu.sort %get3A_109, %get3A_113 masked %masked_sort3A_126 : (vector<16xf32>, vector<16xi32>, vector<16xi1>) -> (vector<16xi1>, vector<16xf32>, vector<16xi32>)
          %rev3A = arith.constant 15 : i32
          %rev3A_130 = vector.broadcast %rev3A : i32 to vector<16xi32>
          %rev3A_131 = tpu.iota {dimensions = array<i32: 0>} : vector<16xi32>
          %rev3A_132 = arith.subi %rev3A_130, %rev3A_131 : vector<16xi32>
          %rev3A_133 = tpu.dynamic_gather %while3A_104[%rev3A_132] in [0] : vector<16xf32>, vector<16xi32> -> vector<16xf32>
          %rev3A_134 = arith.constant 15 : i32
          %rev3A_135 = vector.broadcast %rev3A_134 : i32 to vector<16xi32>
          %rev3A_136 = tpu.iota {dimensions = array<i32: 0>} : vector<16xi32>
          %rev3A_137 = arith.subi %rev3A_135, %rev3A_136 : vector<16xi32>
          %rev3A_138 = tpu.dynamic_gather %while3A_105[%rev3A_137] in [0] : vector<16xi32>, vector<16xi32> -> vector<16xi32>
          %lt3A_139 = arith.cmpf olt, %masked_sort3A_128, %rev3A_133 : vector<16xf32>
          %select_n3A = arith.select %lt3A_139, %masked_sort3A_128, %rev3A_133 : vector<16xi1>, vector<16xf32>
          %select_n3A_140 = arith.select %lt3A_139, %masked_sort3A_129, %rev3A_138 : vector<16xi1>, vector<16xi32>
          %masked_sort3A_141 = arith.constant dense<true> : vector<16xi1>
          %masked_sort3A_142, %masked_sort3A_143, %masked_sort3A_144 = tpu.sort %select_n3A, %select_n3A_140 masked %masked_sort3A_141 : (vector<16xf32>, vector<16xi32>, vector<16xi1>) -> (vector<16xi1>, vector<16xf32>, vector<16xi32>)
          %slice3A_145 = vector.extract_strided_slice %masked_sort3A_143 {offsets = [15], sizes = [1], strides = [1]} : vector<16xf32> to vector<1xf32>
          %squeeze3A_146 = vector.extract %slice3A_145[0] : f32 from vector<1xf32>
          %broadcast_in_dim3A_147 = vector.broadcast %squeeze3A_146 : f32 to vector<16xf32>
          scf.yield %masked_sort3A_143, %masked_sort3A_144, %broadcast_in_dim3A_147 : vector<16xf32>, vector<16xi32>, vector<16xf32>
        } else {
          scf.yield %while3A_104, %while3A_105, %while3A_106 : vector<16xf32>, vector<16xi32>, vector<16xf32>
        }
        scf.yield %cond3A_125#0, %cond3A_125#1, %cond3A_125#2 : vector<16xf32>, vector<16xi32>, vector<16xf32>
      }
      %max3A = arith.constant 1.000000e-35 : f32
      %max3A_60 = vector.broadcast %max3A : f32 to vector<16xf32>
      %max3A_61 = arith.maximumf %while3A_59#0, %max3A_60 : vector<16xf32>
      %bitcast_convert_type3A = tpu.bitcast %max3A_61 : vector<16xf32> -> vector<16xi32>
      %shift_right_arithmetic3A = arith.constant 1 : i32
      %shift_right_arithmetic3A_62 = vector.broadcast %shift_right_arithmetic3A : i32 to vector<16xi32>
      %shift_right_arithmetic3A_63 = arith.shrsi %bitcast_convert_type3A, %shift_right_arithmetic3A_62 : vector<16xi32>
      %sub3A = arith.constant 1597463007 : i32
      %sub3A_64 = vector.broadcast %sub3A : i32 to vector<16xi32>
      %sub3A_65 = arith.subi %sub3A_64, %shift_right_arithmetic3A_63 : vector<16xi32>
      %bitcast_convert_type3A_66 = tpu.bitcast %sub3A_65 : vector<16xi32> -> vector<16xf32>
      %mul3A_67 = arith.constant 5.000000e-01 : f32
      %mul3A_68 = vector.broadcast %mul3A_67 : f32 to vector<16xf32>
      %mul3A_69 = arith.mulf %mul3A_68, %max3A_61 : vector<16xf32>
      %mul3A_70 = arith.mulf %mul3A_69, %bitcast_convert_type3A_66 : vector<16xf32>
      %mul3A_71 = arith.mulf %mul3A_70, %bitcast_convert_type3A_66 : vector<16xf32>
      %sub3A_72 = arith.constant 1.500000e+00 : f32
      %sub3A_73 = vector.broadcast %sub3A_72 : f32 to vector<16xf32>
      %sub3A_74 = arith.subf %sub3A_73, %mul3A_71 : vector<16xf32>
      %mul3A_75 = arith.mulf %bitcast_convert_type3A_66, %sub3A_74 : vector<16xf32>
      %mul3A_76 = arith.constant 5.000000e-01 : f32
      %mul3A_77 = vector.broadcast %mul3A_76 : f32 to vector<16xf32>
      %mul3A_78 = arith.mulf %mul3A_77, %max3A_61 : vector<16xf32>
      %mul3A_79 = arith.mulf %mul3A_78, %mul3A_75 : vector<16xf32>
      %mul3A_80 = arith.mulf %mul3A_79, %mul3A_75 : vector<16xf32>
      %sub3A_81 = arith.constant 1.500000e+00 : f32
      %sub3A_82 = vector.broadcast %sub3A_81 : f32 to vector<16xf32>
      %sub3A_83 = arith.subf %sub3A_82, %mul3A_80 : vector<16xf32>
      %mul3A_84 = arith.mulf %mul3A_75, %sub3A_83 : vector<16xf32>
      %mul3A_85 = arith.constant 5.000000e-01 : f32
      %mul3A_86 = vector.broadcast %mul3A_85 : f32 to vector<16xf32>
      %mul3A_87 = arith.mulf %mul3A_86, %max3A_61 : vector<16xf32>
      %mul3A_88 = arith.mulf %mul3A_87, %mul3A_84 : vector<16xf32>
      %mul3A_89 = arith.mulf %mul3A_88, %mul3A_84 : vector<16xf32>
      %sub3A_90 = arith.constant 1.500000e+00 : f32
      %sub3A_91 = vector.broadcast %sub3A_90 : f32 to vector<16xf32>
      %sub3A_92 = arith.subf %sub3A_91, %mul3A_89 : vector<16xf32>
      %mul3A_93 = arith.mulf %mul3A_84, %sub3A_92 : vector<16xf32>
      %mul3A_94 = arith.mulf %while3A_59#0, %mul3A_93 : vector<16xf32>
      %mul3A_95 = arith.constant 16 : i32
      %mul3A_96 = arith.muli %scan3A_27, %mul3A_95 : i32
      %swap3A_97 = arith.index_cast %mul3A_96 : i32 to index
      %swap3A_98 = tpu.vector_load %arg18[%swap3A_97] {strides = array<i32>} : memref<4096xf32, #tpu.memory_space<vmem>>, vector<16xf32>,
      tpu.vector_store %arg18[%swap3A_97], %mul3A_94 {strides = array<i32>} : memref<4096xf32, #tpu.memory_space<vmem>>, vector<16xf32>,
      %mul3A_99 = arith.constant 16 : i32
      %mul3A_100 = arith.muli %scan3A_27, %mul3A_99 : i32
      %swap3A_101 = arith.index_cast %mul3A_100 : i32 to index
      %swap3A_102 = tpu.vector_load %arg22[%swap3A_101] {strides = array<i32>} : memref<4096xi32, #tpu.memory_space<vmem>>, vector<16xi32>,
      tpu.vector_store %arg22[%swap3A_101], %while3A_59#1 {strides = array<i32>} : memref<4096xi32, #tpu.memory_space<vmem>>, vector<16xi32>,
    }
    %scan3A_8 = arith.constant 256 : i32
    %dma_start3A = arith.constant 0 : i32
    %dma_start3A_9 = tpu.memref_slice %arg5[%dma_start3A] : memref<8192xf32, #tpu.memory_space<hbm>> -> memref<8192xf32, #tpu.memory_space<hbm>>
    tpu.enqueue_indirect_dma source(%dma_start3A_9 : memref<8192xf32, #tpu.memory_space<hbm>>) target(%arg19 : memref<4096xf32, #tpu.memory_space<vmem>>) offsets(%arg22 : memref<4096xi32, #tpu.memory_space<vmem>>) semaphore(%arg26 : memref<!tpu.dma_semaphore, #tpu.memory_space<semaphore_mem>>)
    %dma_wait3A = arith.constant 0 : i32
    %dma_wait3A_10 = tpu.memref_slice %arg5[%dma_wait3A] : memref<8192xf32, #tpu.memory_space<hbm>> -> memref<8192xf32, #tpu.memory_space<hbm>>
    tpu.wait_indirect_dma semaphore(%arg26 : memref<!tpu.dma_semaphore, #tpu.memory_space<semaphore_mem>>) src(%dma_wait3A_10 : memref<8192xf32, #tpu.memory_space<hbm>>) dst(%arg19 : memref<4096xf32, #tpu.memory_space<vmem>>)
    %dma_start3A_11 = arith.constant 0 : i32
    %dma_start3A_12 = tpu.memref_slice %arg6[%dma_start3A_11] : memref<8192xf32, #tpu.memory_space<hbm>> -> memref<8192xf32, #tpu.memory_space<hbm>>
    tpu.enqueue_indirect_dma source(%dma_start3A_12 : memref<8192xf32, #tpu.memory_space<hbm>>) target(%arg20 : memref<4096xf32, #tpu.memory_space<vmem>>) offsets(%arg22 : memref<4096xi32, #tpu.memory_space<vmem>>) semaphore(%arg26 : memref<!tpu.dma_semaphore, #tpu.memory_space<semaphore_mem>>)
    %dma_wait3A_13 = arith.constant 0 : i32
    %dma_wait3A_14 = tpu.memref_slice %arg6[%dma_wait3A_13] : memref<8192xf32, #tpu.memory_space<hbm>> -> memref<8192xf32, #tpu.memory_space<hbm>>
    tpu.wait_indirect_dma semaphore(%arg26 : memref<!tpu.dma_semaphore, #tpu.memory_space<semaphore_mem>>) src(%dma_wait3A_14 : memref<8192xf32, #tpu.memory_space<hbm>>) dst(%arg20 : memref<4096xf32, #tpu.memory_space<vmem>>)
    %dma_start3A_15 = arith.constant 0 : i32
    %dma_start3A_16 = tpu.memref_slice %arg7[%dma_start3A_15] : memref<8192xf32, #tpu.memory_space<hbm>> -> memref<8192xf32, #tpu.memory_space<hbm>>
    tpu.enqueue_indirect_dma source(%dma_start3A_16 : memref<8192xf32, #tpu.memory_space<hbm>>) target(%arg21 : memref<4096xf32, #tpu.memory_space<vmem>>) offsets(%arg22 : memref<4096xi32, #tpu.memory_space<vmem>>) semaphore(%arg26 : memref<!tpu.dma_semaphore, #tpu.memory_space<semaphore_mem>>)
    %dma_wait3A_17 = arith.constant 0 : i32
    %dma_wait3A_18 = tpu.memref_slice %arg7[%dma_wait3A_17] : memref<8192xf32, #tpu.memory_space<hbm>> -> memref<8192xf32, #tpu.memory_space<hbm>>
    tpu.wait_indirect_dma semaphore(%arg26 : memref<!tpu.dma_semaphore, #tpu.memory_space<semaphore_mem>>) src(%dma_wait3A_18 : memref<8192xf32, #tpu.memory_space<hbm>>) dst(%arg21 : memref<4096xf32, #tpu.memory_space<vmem>>)
    %mul3A_19 = arith.constant 16 : i32
    %mul3A_20 = arith.muli %mul3A_2, %mul3A_19 : i32
    "tpu.region"() ({
      %run_scoped3A = tpu.sem_alloc : memref<!tpu.dma_semaphore, #tpu.memory_space<semaphore_mem>>
      %dma_start3A_27 = tpu.memref_slice %arg8[%mul3A_20] : memref<131072xf32, #tpu.memory_space<hbm>> -> memref<4096xf32, #tpu.memory_space<hbm>>
      %dma_start3A_28 = tpu.memref_slice %arg8[%mul3A_20] : memref<131072xf32, #tpu.memory_space<hbm>> -> memref<4096xf32, #tpu.memory_space<hbm>>
      tpu.enqueue_dma source(%arg18 : memref<4096xf32, #tpu.memory_space<vmem>>) target(%dma_start3A_28 : memref<4096xf32, #tpu.memory_space<hbm>>) target_semaphore(%run_scoped3A : memref<!tpu.dma_semaphore, #tpu.memory_space<semaphore_mem>>)
      %dma_wait3A_29 = tpu.memref_slice %arg8[%mul3A_20] : memref<131072xf32, #tpu.memory_space<hbm>> -> memref<4096xf32, #tpu.memory_space<hbm>>
      %dma_wait3A_30 = tpu.memref_slice %arg8[%mul3A_20] : memref<131072xf32, #tpu.memory_space<hbm>> -> memref<4096xf32, #tpu.memory_space<hbm>>
      tpu.wait_dma2 semaphore(%run_scoped3A : memref<!tpu.dma_semaphore, #tpu.memory_space<semaphore_mem>>) src(%arg18 : memref<4096xf32, #tpu.memory_space<vmem>>) dst(%dma_wait3A_30 : memref<4096xf32, #tpu.memory_space<hbm>>)
      tpu.yield
    }) : () -> ()
    %mul3A_21 = arith.constant 16 : i32
    %mul3A_22 = arith.muli %mul3A_2, %mul3A_21 : i32
    "tpu.region"() ({
      %run_scoped3A = tpu.sem_alloc : memref<!tpu.dma_semaphore, #tpu.memory_space<semaphore_mem>>
      %dma_start3A_27 = tpu.memref_slice %arg9[%mul3A_22] : memref<131072xf32, #tpu.memory_space<hbm>> -> memref<4096xf32, #tpu.memory_space<hbm>>
      %dma_start3A_28 = tpu.memref_slice %arg9[%mul3A_22] : memref<131072xf32, #tpu.memory_space<hbm>> -> memref<4096xf32, #tpu.memory_space<hbm>>
      tpu.enqueue_dma source(%arg19 : memref<4096xf32, #tpu.memory_space<vmem>>) target(%dma_start3A_28 : memref<4096xf32, #tpu.memory_space<hbm>>) target_semaphore(%run_scoped3A : memref<!tpu.dma_semaphore, #tpu.memory_space<semaphore_mem>>)
      %dma_wait3A_29 = tpu.memref_slice %arg9[%mul3A_22] : memref<131072xf32, #tpu.memory_space<hbm>> -> memref<4096xf32, #tpu.memory_space<hbm>>
      %dma_wait3A_30 = tpu.memref_slice %arg9[%mul3A_22] : memref<131072xf32, #tpu.memory_space<hbm>> -> memref<4096xf32, #tpu.memory_space<hbm>>
      tpu.wait_dma2 semaphore(%run_scoped3A : memref<!tpu.dma_semaphore, #tpu.memory_space<semaphore_mem>>) src(%arg19 : memref<4096xf32, #tpu.memory_space<vmem>>) dst(%dma_wait3A_30 : memref<4096xf32, #tpu.memory_space<hbm>>)
      tpu.yield
    }) : () -> ()
    %mul3A_23 = arith.constant 16 : i32
    %mul3A_24 = arith.muli %mul3A_2, %mul3A_23 : i32
    "tpu.region"() ({
      %run_scoped3A = tpu.sem_alloc : memref<!tpu.dma_semaphore, #tpu.memory_space<semaphore_mem>>
      %dma_start3A_27 = tpu.memref_slice %arg10[%mul3A_24] : memref<131072xf32, #tpu.memory_space<hbm>> -> memref<4096xf32, #tpu.memory_space<hbm>>
      %dma_start3A_28 = tpu.memref_slice %arg10[%mul3A_24] : memref<131072xf32, #tpu.memory_space<hbm>> -> memref<4096xf32, #tpu.memory_space<hbm>>
      tpu.enqueue_dma source(%arg20 : memref<4096xf32, #tpu.memory_space<vmem>>) target(%dma_start3A_28 : memref<4096xf32, #tpu.memory_space<hbm>>) target_semaphore(%run_scoped3A : memref<!tpu.dma_semaphore, #tpu.memory_space<semaphore_mem>>)
      %dma_wait3A_29 = tpu.memref_slice %arg10[%mul3A_24] : memref<131072xf32, #tpu.memory_space<hbm>> -> memref<4096xf32, #tpu.memory_space<hbm>>
      %dma_wait3A_30 = tpu.memref_slice %arg10[%mul3A_24] : memref<131072xf32, #tpu.memory_space<hbm>> -> memref<4096xf32, #tpu.memory_space<hbm>>
      tpu.wait_dma2 semaphore(%run_scoped3A : memref<!tpu.dma_semaphore, #tpu.memory_space<semaphore_mem>>) src(%arg20 : memref<4096xf32, #tpu.memory_space<vmem>>) dst(%dma_wait3A_30 : memref<4096xf32, #tpu.memory_space<hbm>>)
      tpu.yield
    }) : () -> ()
    %mul3A_25 = arith.constant 16 : i32
    %mul3A_26 = arith.muli %mul3A_2, %mul3A_25 : i32
    "tpu.region"() ({
      %run_scoped3A = tpu.sem_alloc : memref<!tpu.dma_semaphore, #tpu.memory_space<semaphore_mem>>
      %dma_start3A_27 = tpu.memref_slice %arg11[%mul3A_26] : memref<131072xf32, #tpu.memory_space<hbm>> -> memref<4096xf32, #tpu.memory_space<hbm>>
      %dma_start3A_28 = tpu.memref_slice %arg11[%mul3A_26] : memref<131072xf32, #tpu.memory_space<hbm>> -> memref<4096xf32, #tpu.memory_space<hbm>>
      tpu.enqueue_dma source(%arg21 : memref<4096xf32, #tpu.memory_space<vmem>>) target(%dma_start3A_28 : memref<4096xf32, #tpu.memory_space<hbm>>) target_semaphore(%run_scoped3A : memref<!tpu.dma_semaphore, #tpu.memory_space<semaphore_mem>>)
      %dma_wait3A_29 = tpu.memref_slice %arg11[%mul3A_26] : memref<131072xf32, #tpu.memory_space<hbm>> -> memref<4096xf32, #tpu.memory_space<hbm>>
      %dma_wait3A_30 = tpu.memref_slice %arg11[%mul3A_26] : memref<131072xf32, #tpu.memory_space<hbm>> -> memref<4096xf32, #tpu.memory_space<hbm>>
      tpu.wait_dma2 semaphore(%run_scoped3A : memref<!tpu.dma_semaphore, #tpu.memory_space<semaphore_mem>>) src(%arg21 : memref<4096xf32, #tpu.memory_space<vmem>>) dst(%dma_wait3A_30 : memref<4096xf32, #tpu.memory_space<hbm>>)
      tpu.yield
    }) : () -> ()
    return
  }
}

</mosaic_0001>

<sc_bundles>
// kernel: kernel.3.cloned.1.call-start
scs
__scs_entry_jumppad:
0x0: {  	(pc) =	sbr.rel $0x88, $3  }
0x1: {  	(tag) =	ssettag $0x0;
	lr =	simm.s32 $0x1  }
0x2: {  	[smem:$0x3F9F] =	sst lr;
	_ =	strace $0xD0000000  }
0x3: {  	_ = 	snop  }
0x4: {  	_ = 	snop  }
0x5: {  	_ = 	snop  }
0x6: {  	_ = 	snop  }
0x7: {  	_ = 	snop  }
__scs_overlays_trampoline_lowered:
0x8: {  	[smem:$0x3FAE] =	sst s0  }
0x9: {  	[smem:$0x3FAF] =	sst s1  }
0xa: {  	[smem:$0x3FB0] =	sst s2  }
0xb: {  	[smem:$0x3FB1] =	sst s3  }
0xc: {  	[smem:$0x3FB2] =	sst s4  }
0xd: {  	[smem:$0x3FB3] =	sst s5  }
0xe: {  	[smem:$0x3FB4] =	sst s6  }
0xf: {  	[smem:$0x3FB5] =	sst s7  }
0x10: {  	[smem:$0x3FB6] =	sst s8  }
0x11: {  	[smem:$0x3FB7] =	sst s9;
	s0 =	simm.s32 @!p0 $0x0  }
0x12: {  	s1 =	sld [smem:$0x3F9D];
	s0 =	simm.s32 @p0 $0x1  }
0x13: {  	[smem:$0x3FB8] =	sst s0;
	s0 =	simm.s32 @!p1 $0x0  }
0x14: {  	s2 =	sld [smem:$0x3F9C];
	s0 =	simm.s32 @p1 $0x1  }
0x15: {  	[smem:$0x3FB9] =	sst s0;
	s0 =	simm.s32 @!p2 $0x0  }
0x16: {  	s3 =	sld [smem:$0x3FDB];
	s0 =	simm.s32 @p2 $0x1  }
0x17: {  	s4 =	simm.s32 $0x1BF5;
	[smem:$0x3FBB] =	sst s0  }
0x18: {  	s0 =	sld [smem:$0x3F9E];
	_ =	swait.ge [sflag:s4], $0x0  }
0x19: {  	s7 =	sld [smem:$0x3F9F]  }
0x1a: {  	s8 =	sadd.s32 $0xFFFFE003, lr  }
0x1b: {  	s9 =	sadd.s32 $0xFFFFFEF7, lr;
	s5 =	simm.s32 $0xFFFFFFFF;
	p2 =	slt.u32 s8, $0xFFFFF086  }
0x1c: {  	p1 =	slt.u32 s9, $0xF7A;
	s5 =	simm.s32 @!p2 $0x0  }
0x1d: {  	s5 =	simm.s32 @p1 $0x1;
	p0 =	seq.s32 s7, s2  }
0x1e: {  	s7 =	smul.u32 @!p0 $0xF7A, s2;
	p2 =	seq.s32 @!p0 s5, $0x0  }
0x1f: {  	s9 =	smul.u32 $0xF7A, s1;
	s8 =	simm.s32 @!p0 $0x1BF5;
	p2 =	por !p2, p0  }
0x20: {  	[sflag:s8] =	ssyncset.s32 @!p0 $0xFFFFF086;
	s6 =	sadd.s32 @!p0 s3, s7;
	s7 =	simm.s32 @!p0 $0x108  }
0x21: {  	s3 =	sadd.s32 s3, s9;
	s6 =	sadd.s32 @!p0 $0x88, s6;
	s7 =	simm.s32 @p2 $0x1082  }
0x22: {  	[simem:s7], [sflag:s8] =	dma.local @!p0 [hbm:s6], $0xF7A  }
0x23: {  	s9 =	sor.u32 $0xD0000000, s2;
	s6 =	simm.s32 $0x108;
	_ =	swait.ge @!p0 [sflag:s8], $0x0  }
0x24: {  	s3 =	sadd.s32 $0x88, s3;
	s6 =	simm.s32 @!p1 $0x1082;
	[sflag:s4] =	ssyncset.s32 $0xFFFFF086  }
0x25: {  	[simem:s6], [sflag:s4] =	dma.local [hbm:s3], $0xF7A  }
0x26: {  	[smem:$0x3F9F] =	sst s1;
	(tag) =	ssettag s2;
	_ =	strace s9  }
0x27: {  	s1 =	sld [smem:$0x3FAF]  }
0x28: {  	s2 =	sld [smem:$0x3FB0]  }
0x29: {  	s4 =	sld [smem:$0x3FB2]  }
0x2a: {  	p0 =	seq.s32 s5, $0x0;
	s5 =	sld [smem:$0x3FB3]  }
0x2b: {  	s6 =	sld [smem:$0x3FB4]  }
0x2c: {  	s7 =	sld [smem:$0x3FB5]  }
0x2d: {  	s3 =	simm.s32 $0x108;
	s8 =	sld [smem:$0x3FB6]  }
0x2e: {  	s3 =	simm.s32 @!p0 $0x1082;
	s9 =	sld [smem:$0x3FB7]  }
0x2f: {  	lr =	sadd.s32 s0, s3;
	s0 =	sld [smem:$0x3FAE]  }
0x30: {  	s3 =	sld [smem:$0x3FB1]  }
0x31: {  	[smem:$0x3FBA] =	sst s10  }
0x32: {  	s10 =	sld [smem:$0x3FB8];
	_ =	sdelay $0x3  }
0x33: {  	p0 =	seq.s32 s10, $0x1;
	s10 =	sld [smem:$0x3FBA];
	_ =	sdelay $0x3  }
0x34: {  	[smem:$0x3FBA] =	sst s10  }
0x35: {  	s10 =	sld [smem:$0x3FB9];
	_ =	sdelay $0x3  }
0x36: {  	p1 =	seq.s32 s10, $0x1;
	s10 =	sld [smem:$0x3FBA];
	_ =	sdelay $0x3  }
0x37: {  	[smem:$0x3FBA] =	sst s10  }
0x38: {  	s10 =	sld [smem:$0x3FBB]  }
0x39: {  	_ = 	snop;
	(pc) =	sbr.ind lr, $3  }
0x3a: {  	_ = 	snop  }
0x3b: {  	_ = 	snop  }
0x3c: {  	p2 =	seq.s32 s10, $0x1;
	s10 =	sld [smem:$0x3FBA]  }
0x3d: {  	_ =	shalt  }
0x3e: {  	_ =	shalt  }
0x3f: {  	_ =	shalt  }
0x40: {  	_ =	shalt  }
0x41: {  	_ =	shalt  }
0x42: {  	_ =	shalt  }
0x43: {  	_ =	shalt  }
0x44: {  	_ =	shalt  }
0x45: {  	_ =	shalt  }
0x46: {  	_ =	shalt  }
0x47: {  	_ =	shalt  }
0x48: {  	_ =	shalt  }
0x49: {  	_ =	shalt  }
0x4a: {  	_ =	shalt  }
0x4b: {  	_ =	shalt  }
0x4c: {  	_ =	shalt  }
0x4d: {  	_ =	shalt  }
0x4e: {  	_ =	shalt  }
0x4f: {  	_ =	shalt  }
0x50: {  	_ =	shalt  }
0x51: {  	_ =	shalt  }
0x52: {  	_ =	shalt  }
0x53: {  	_ =	shalt  }
0x54: {  	_ =	shalt  }
0x55: {  	_ =	shalt  }
0x56: {  	_ =	shalt  }
0x57: {  	_ =	shalt  }
0x58: {  	_ =	shalt  }
0x59: {  	_ =	shalt  }
0x5a: {  	_ =	shalt  }
0x5b: {  	_ =	shalt  }
0x5c: {  	_ =	shalt  }
0x5d: {  	_ =	shalt  }
0x5e: {  	_ =	shalt  }
0x5f: {  	_ =	shalt  }
0x60: {  	_ =	shalt  }
0x61: {  	_ =	shalt  }
0x62: {  	_ =	shalt  }
0x63: {  	_ =	shalt  }
0x64: {  	_ =	shalt  }
0x65: {  	_ =	shalt  }
0x66: {  	_ =	shalt  }
0x67: {  	_ =	shalt  }
0x68: {  	_ =	shalt  }
0x69: {  	_ =	shalt  }
0x6a: {  	_ =	shalt  }
0x6b: {  	_ =	shalt  }
0x6c: {  	_ =	shalt  }
0x6d: {  	_ =	shalt  }
0x6e: {  	_ =	shalt  }
0x6f: {  	_ =	shalt  }
0x70: {  	_ =	shalt  }
0x71: {  	_ =	shalt  }
0x72: {  	_ =	shalt  }
0x73: {  	_ =	shalt  }
0x74: {  	_ =	shalt  }
0x75: {  	_ =	shalt  }
0x76: {  	_ =	shalt  }
0x77: {  	_ =	shalt  }
0x78: {  	_ =	shalt  }
0x79: {  	_ =	shalt  }
0x7a: {  	_ =	shalt  }
0x7b: {  	_ =	shalt  }
0x7c: {  	_ =	shalt  }
0x7d: {  	_ =	shalt  }
0x7e: {  	_ =	shalt  }
0x7f: {  	_ =	shalt  }
0x80: {  	_ =	shalt  }
0x81: {  	_ =	shalt  }
0x82: {  	_ =	shalt  }
0x83: {  	_ =	shalt  }
0x84: {  	_ =	shalt  }
0x85: {  	_ =	shalt  }
0x86: {  	_ =	shalt  }
0x87: {  	_ =	shalt  }
.Lfunc_end0:
.L_simem_size_0:
called_computation_lowered:
.L_overlay_start_0:
0x88: {  	s2 =	sld [smem:$0x3FD9]  }
0x89: {  	s3 =	sld [smem:$0x3FFE];
	_ =	sdelay $0x1  }
0x8a: {  	s1 =	srdreg.scid  }
0x8b: {  	s0 =	sand.u32 $0x1, s1  }
0x8c: {  	s14 =	sshll.u32 s0, $0xA;
	s2 =	sadd.s32 s3, s2  }
0x8d: {  	s2 =	sadd.s32 s2, s14  }
0x8e: {  	[smem:$0x3FC6] =	sst s2  }
0x8f: {  	_ = 	snop  }
0x90: {  	s2 =	sld [smem:$0x3FD0];
	_ =	sdelay $0x2  }
0x91: {  	s15 =	simm.s32 $0xA;
	s4 =	simm.s32 $0x10  }
0x92: {  	[smem:s4], [sflag:s15] =	dma.local [hbm:s2], $0x1  }
0x93: {  	_ =	swait.eq [sflag:s15], $0x1  }
0x94: {  	[sflag:s15] =	ssyncset.done $0x0  }
0x95: {  	s16 =	sld [smem:$0x10];
	[sflag:s15] =	ssyncadd.s32 $0xFFFFFFFF  }
0x96: {  	s17 =	sld [smem:$0x11];
	(tm) =	ssettm $0x1  }
0x97: {  	s18 =	sld [smem:$0x3FFB];
	_ =	sdelay $0x3  }
0x98: {  	_ =	strace s18  }
0x99: {  	s4 =	sld [smem:$0x3FFC];
	_ =	sdelay $0x3  }
0x9a: {  	_ =	strace s4  }
0x9b: {  	s4 =	sld [smem:$0x3FFD];
	_ =	sdelay $0x3  }
0x9c: {  	_ =	strace s4  }
0x9d: {  	_ =	strace $0x8FFFFFFF  }
0x9e: {  	s19 =	sld [smem:$0x3FDB];
	_ =	sdelay $0x1  }
0x9f: {  	s5 =	simm.s32 $_scs_section_size  }
0xa0: {  	s6 =	simm.s32 $_size__tile_overlayer_lowered;
	s7 =	simm.s32 $_tile_overlayer_lowered  }
0xa1: {  	s22 =	simm.s32 $0x1BFF;
	s21 =	sshll.u32 s7, $0x1;
	s4 =	sadd.s32 s5, s19  }
0xa2: {  	s8 =	simm.s32 $0x0;
	s20 =	sshll.u32 s6, $0x1;
	s6 =	sadd.s32 s21, s4  }
0xa3: {  	[timem:s8], [sflag:s22] =	dma.local [hbm:s6], s20  }
0xa4: {  	_ =	swait.ge [sflag:s22], s20  }
0xa5: {  	s5 =	ssub.s32 $0x0, s20;
	[sflag:s22] =	ssyncset.done $0x0  }
0xa6: {  	[sflag:s22] =	ssyncadd.s32 s5;
	_ =	sdelay $0x1  }
0xa7: {  	s23 =	simm.s32 $0x1B8B  }
0xa8: {  	_ =	swait.ge [sflag:s23], $0x1  }
0xa9: {  	[sflag:s23] =	ssyncset.done $0x0  }
0xaa: {  	s25 =	simm.s32 $0x1B8E;
	s24 =	sld [smem:$0x3FFE];
	[sflag:s23] =	ssyncadd.s32 $0xFFFFFFFF  }
0xab: {  	s26 =	simm.s32 $execute0_lowered;
	[smem:$0x3FD2] =	sst s25  }
0xac: {  	s6 =	sshll.u32 s26, $0x1;
	_ =	strace $0x80000046;
	[dreg:$0x1] =	wrdreg $0xFFFFFFFF  }
0xad: {  	s28 =	simm.s32 $_size_execute0_lowered;
	s4 =	sadd.s32 s4, s6;
	[dreg:$0x0] =	wrdreg $0x0  }
0xae: {  	s6 =	sshll.u32 s28, $0x1;
	[dreg:$0x2] =	wrdreg s4  }
0xaf: {  	[dreg:$0x3] =	wrdreg s6  }
0xb0: {  	[dreg:$0x4] =	wrdreg $0xC0  }
0xb1: {  	_ =	task [dreg:s8], $0x5FFFF  }
0xb2: {  	[dreg:$0x1] =	wrdreg $0xFFFFFFFF  }
0xb3: {  	[dreg:$0x0] =	wrdreg $0x60  }
0xb4: {  	[dreg:$0x2] =	wrdreg s24  }
0xb5: {  	[dreg:$0x3] =	wrdreg s17  }
0xb6: {  	[dreg:$0x4] =	wrdreg s16  }
0xb7: {  	[dreg:$0x5] =	wrdreg $0x9  }
0xb8: {  	_ =	task.clear_ibuf [dreg:s8], $0x6FFFF;
	_ =	strace $0x90000046  }
0xb9: {  	s29 =	simm.s32 $0x9;
	_ =	strace $0x80000048  }
0xba: {  	_ =	swait.ge [sflag:s29], $0x1  }
0xbb: {  	[sflag:s29] =	ssyncadd.s32 $0xFFFFFFFF  }
0xbc: {  	_ =	strace $0x90000048  }
0xbd: {  	_ =	sfence  }
0xbe: {  	s30 =	sld [smem:$0x0];
	_ =	sdelay $0x2  }
0xbf: {  	s31 =	sshll.u32 s1, $0xD;
	s1 =	sshrl.u32 s1, $0x2  }
0xc0: {  	s3 =	sand.u32 $0x4000, s31;
	s1 =	sadd.s32 s1, s30  }
0xc1: {  	s0 =	sor.u32 s3, s0;
	s1 =	sshll.u32 s1, $0x11  }
0xc2: {  	s0 =	sor.u32 s1, s0  }
0xc3: {  	s0 =	sadd.s32 $0x8F2B, s0  }
0xc4: {  	[sflag:s0] =	ssyncadd.remote.s32 $0x1  }
0xc5: {  	_ =	sfence.sel $0xFFFF  }
0xc6: {  	[dreg:$0x0] =	wrdreg $0xFFFFFFFF;
	(pc) =	sbr.abs _section_cstart, $3  }
0xc7: {  	[dreg:$0x1] =	wrdreg $0xFFFFFFFF  }
0xc8: {  	_ =	task.clear_ibuf [dreg:s8], $0x2FFFF;
	_ =	strace $0x9FFFFFFF  }
0xc9: {  	(tm) =	ssettm $0x7FFFFFFF  }
tec
execute0_lowered:
.L_overlay_start_1:
0x0: {  	(tag) =	ssettag $0x1  }
0x1: {  	s0 =	rddreg [dreg:$0x0]  }
0x2: {  	s1 =	rddreg [dreg:$0x1]  }
0x3: {  	s6 =	rddreg [dreg:$0x2]  }
0x4: {  	s3 =	srdreg.scid;
	s5 =	stileid.u32  }
0x5: {  	s2 =	simm.s32 $0x0;
	s14 =	simm.s32 $0x2;
	s17 =	simm.s32 $0x6000  }
0x6: {  	s18 =	simm.s32 $0x6100;
	s19 =	simm.s32 $0x6200;
	s20 =	simm.s32 $0xB300  }
0x7: {  	s21 =	simm.s32 $0xD380;
	s22 =	simm.s32 $0x1000;
	s23 =	simm.s32 $0xA300  }
0x8: {  	s24 =	simm.s32 $0x7300;
	s25 =	simm.s32 $0x1;
	s26 =	simm.s32 $0x8300  }
0x9: {  	s28 =	simm.s32 $0x9300;
	s4 =	sand.u32 $0x1, s3;
	s29 =	sshll.u32 s5, $0x1  }
0xa: {  	s30 =	simm.s32 $0x0;
	[smem:$0x7FF] =	sst s2;
	s5 =	sor.u32 s4, s29  }
0xb: {  	_ =	strace $0x80000047;
	s7 =	ssub.s32 $0x2, s4;
	s4 =	sadd.s32 $0x2200, s0  }
0xc: {  	s3 =	sshll.u32 s5, $0x5;
	s10 =	sshll.u32 s5, $0x9;
	s9 =	sshrl.u32 s7, $0x1  }
.Ltmp0:
0xd: {  	s5 =	sadd.s32 $0x1E00, s0;
	s8 =	sadd.s32 s3, s0;
	(pc) =	sbr.rel .LBB2_1-.Ltmp0, $4  }
0xe: {  	s3 =	sadd.s32 $0x2600, s0;
	s0 =	sadd.s32 s10, s0;
	s13 =	ssub.s32 s7, s9  }
0xf: {  	s9 =	sadd.s32 s1, s10;
	s10 =	sadd.s32 s6, s10;
	s31 =	sadd.s32 $0x1A00, s8  }
0x10: {  	s7 =	sadd.s32 $0x1600, s8;
	s8 =	sadd.s32 $0x1200, s8;
	s11 =	sadd.s32 $0x2A00, s0  }
0x11: {  	v0 =	vlaneseq.u32;
	v1 =	vimm.s32 $0x0;
	v2 =	vimm.f32 $0.0e+00;
	s12 =	sadd.s32 $0x6A00, s0;
	s13 =	smax.u32 s13, $0x1;
	[dreg:$0x4] =	wrdreg s31  }
.LBB2_11:
0x12: {  	[tilespmem:s24], [sflag:$0x1] =	stream.indirect.gather [hbm4b:s3+s22], $0x1, s23, s22, $0xb8;
	[tilespmem:$0x11400] =	vst v63  }
0x13: {  	_ =	swait.ge [sflag:s25], $0x1000  }
0x14: {  	[sflag:s25] =	ssyncset.done $0x0  }
0x15: {  	[sflag:s25] =	ssyncadd.s32 $0xFFFFF000  }
0x16: {  	[tilespmem:s26], [sflag:$0x1] =	stream.indirect.gather [hbm4b:s4+s22], $0x1, s23, s22, $0xb8;
	[tilespmem:$0x11400] =	vst v63  }
0x17: {  	_ =	swait.ge [sflag:s25], $0x1000  }
0x18: {  	[sflag:s25] =	ssyncset.done $0x0  }
0x19: {  	[sflag:s25] =	ssyncadd.s32 $0xFFFFF000  }
0x1a: {  	[tilespmem:s28], [sflag:$0x1] =	stream.indirect.gather [hbm4b:s5+s22], $0x1, s23, s22, $0xb8;
	[tilespmem:$0x11400] =	vst v63  }
0x1b: {  	_ =	swait.ge [sflag:s25], $0x1000  }
0x1c: {  	[sflag:s25] =	ssyncset.done $0x0  }
0x1d: {  	s0 =	simm.s32 $0x6300;
	[sflag:s25] =	ssyncadd.s32 $0xFFFFF000  }
0x1e: {  	[hbm4b:s9+s2] =	stream.linear.scatter [tilespmem:s0], [sflag:$0x2], $0x1000, $0x38;
	[tilespmem:$0x11400] =	vst v63  }
0x1f: {  	_ =	swait.ge [sflag:s14], $0x1000  }
0x20: {  	[sflag:s14] =	ssyncset.done $0x0  }
0x21: {  	[sflag:s14] =	ssyncadd.s32 $0xFFFFF000  }
0x22: {  	[hbm4b:s10+s2] =	stream.linear.scatter [tilespmem:s24], [sflag:$0x2], $0x1000, $0x38;
	[tilespmem:$0x11400] =	vst v63  }
0x23: {  	_ =	swait.ge [sflag:s14], $0x1000  }
0x24: {  	[sflag:s14] =	ssyncset.done $0x0  }
0x25: {  	[sflag:s14] =	ssyncadd.s32 $0xFFFFF000  }
0x26: {  	[hbm4b:s11+s2] =	stream.linear.scatter [tilespmem:s26], [sflag:$0x2], $0x1000, $0x38;
	[tilespmem:$0x11400] =	vst v63  }
0x27: {  	s30 =	sadd.s32 $0x1, s30;
	_ =	swait.ge [sflag:s14], $0x1000  }
0x28: {  	p0 =	sne.s32 s30, s13;
	[sflag:s14] =	ssyncset.done $0x0  }
.Ltmp1:
0x29: {  	[sflag:s14] =	ssyncadd.s32 $0xFFFFF000;
	(pc) =	sbr.rel @!p0 .LBB2_12-.Ltmp1, $4  }
0x2a: {  	[hbm4b:s12+s2] =	stream.linear.scatter [tilespmem:s28], [sflag:$0x2], $0x1000, $0x38;
	[tilespmem:$0x11400] =	vst v63  }
0x2b: {  	_ =	swait.ge [sflag:s14], $0x1000  }
0x2c: {  	[sflag:s14] =	ssyncset.done $0x0  }
0x2d: {  	[sflag:s14] =	ssyncadd.s32 $0xFFFFF000  }
.LBB2_1:
0x2e: {  	[tilespmem:s2], [sflag:$0x2] =	stream.linear.gather [hbm4b:s3+s2], $0x2000, $0x38;
	[tilespmem:$0x11400] =	vst v63  }
0x2f: {  	_ =	swait.ge [sflag:s14], $0x2000  }
0x30: {  	[sflag:s14] =	ssyncset.done $0x0  }
0x31: {  	s0 =	simm.s32 $0x2000;
	[sflag:s14] =	ssyncadd.s32 $0xFFFFE000  }
0x32: {  	[tilespmem:s0], [sflag:$0x2] =	stream.linear.gather [hbm4b:s4+s2], $0x2000, $0x38;
	[tilespmem:$0x11400] =	vst v63  }
0x33: {  	_ =	swait.ge [sflag:s14], $0x2000  }
0x34: {  	[sflag:s14] =	ssyncset.done $0x0  }
0x35: {  	s16 =	simm.s32 $0x4000;
	[sflag:s14] =	ssyncadd.s32 $0xFFFFE000  }
0x36: {  	[tilespmem:s16], [sflag:$0x2] =	stream.linear.gather [hbm4b:s5+s2], $0x2000, $0x38;
	[tilespmem:$0x11400] =	vst v63  }
0x37: {  	_ =	swait.ge [sflag:s14], $0x2000  }
0x38: {  	[sflag:s14] =	ssyncset.done $0x0  }
0x39: {  	s29 =	rddreg [dreg:$0x4];
	[sflag:s14] =	ssyncadd.s32 $0xFFFFE000  }
0x3a: {  	[tilespmem:s17], [sflag:$0x2] =	stream.linear.gather [hbm4b:s29+s2], $0x100, $0x38;
	[tilespmem:$0x11400] =	vst v63  }
0x3b: {  	_ =	swait.ge [sflag:s14], $0x100  }
0x3c: {  	[sflag:s14] =	ssyncset.done $0x0  }
0x3d: {  	[sflag:s14] =	ssyncadd.s32 $0xFFFFFF00  }
0x3e: {  	[tilespmem:s18], [sflag:$0x2] =	stream.linear.gather [hbm4b:s7+s2], $0x100, $0x38;
	[tilespmem:$0x11400] =	vst v63  }
0x3f: {  	_ =	swait.ge [sflag:s14], $0x100  }
0x40: {  	[sflag:s14] =	ssyncset.done $0x0  }
.Ltmp2:
0x41: {  	[sflag:s14] =	ssyncadd.s32 $0xFFFFFF00;
	(pc) =	sbr.rel .LBB2_2-.Ltmp2, $4  }
0x42: {  	[tilespmem:s19], [sflag:$0x2] =	stream.linear.gather [hbm4b:s8+s2], $0x100, $0x38;
	[tilespmem:$0x11400] =	vst v63  }
0x43: {  	_ =	swait.ge [sflag:s14], $0x100  }
0x44: {  	[sflag:s14] =	ssyncset.done $0x0  }
0x45: {  	s31 =	simm.s32 $0x0;
	[sflag:s14] =	ssyncadd.s32 $0xFFFFFF00  }
.LBB2_9:
0x46: {  	v5, v6, _ =	vpop @p0 (xrf1)  }
0x47: {  	v4 =	vpsel p0, v5, v4;
	v3 =	vpsel p0, v6, v3  }
.LBB2_10:
0x48: {  	v5 =	vmax.f32 v4, $1.000000020e-35  }
0x49: {  	v6 =	vshra.s32 v5, $0x1;
	v5 =	vmul.f32 $5.000000000e-01, v5  }
0x4a: {  	v6 =	vsub.s32 $0x5F3759DF, v6  }
0x4b: {  	v7 =	vmul.f32 v6, v5;
	_ =	sdelay $0x1  }
0x4c: {  	v7 =	vmul.f32 v6, v7;
	_ =	sdelay $0x1  }
0x4d: {  	v7 =	vsub.f32 $1.500000000e+00, v7;
	_ =	sdelay $0x1  }
0x4e: {  	v6 =	vmul.f32 v6, v7;
	_ =	sdelay $0x1  }
0x4f: {  	v7 =	vmul.f32 v6, v5;
	_ =	sdelay $0x1  }
0x50: {  	v7 =	vmul.f32 v7, v6;
	_ =	sdelay $0x1  }
0x51: {  	v7 =	vsub.f32 $1.500000000e+00, v7;
	_ =	sdelay $0x1  }
0x52: {  	v6 =	vmul.f32 v7, v6;
	_ =	sdelay $0x1  }
0x53: {  	v5 =	vmul.f32 v6, v5;
	_ =	sdelay $0x1  }
0x54: {  	v5 =	vmul.f32 v5, v6;
	_ =	sdelay $0x1  }
0x55: {  	s0 =	sshll.u32 s31, $0x4;
	s31 =	sadd.s32 $0x1, s31;
	v5 =	vsub.f32 $1.500000000e+00, v5  }
0x56: {  	p0 =	sne.s32 s31, $0x100  }
.Ltmp3:
0x57: {  	v5 =	vmul.f32 v5, v6;
	(pc) =	sbr.rel @!p0 .LBB2_11-.Ltmp3, $4  }
0x58: {  	_ = 	snop  }
0x59: {  	v63 =	vmul.f32 v5, v4  }
0x5a: {  	[tilespmem:s0+$0xA300] =	vst v3  }
0x5b: {  	[tilespmem:s0+$0x6300] =	vst v63  }
.LBB2_2:
0x5c: {  	s1 =	simm.s32 $0x2040  }
0x5d: {  	s6 =	simm.s32 $0x40;
	v6 =	vld [tilespmem:s1+$0xFFFFFFE0]  }
0x5e: {  	s0 =	simm.s32 $0x4040;
	v7 =	vld [tilespmem:s6+$0x30]  }
0x5f: {  	v9 =	vld [tilespmem:s0+$0xFFFFFFF0]  }
0x60: {  	v12 =	vld [tilespmem:s6+$0x0]  }
0x61: {  	v3 =	vmov s31;
	v13 =	vld [tilespmem:s0+$0xFFFFFFE0]  }
0x62: {  	v8 =	vld [tilespmem:s1+$0x0]  }
0x63: {  	v10 =	vld [tilespmem:s1+$0xFFFFFFF0]  }
0x64: {  	v14 =	vld [tilespmem:s0+$0xFFFFFFD0]  }
0x65: {  	v15 =	vld [tilespmem:s0+$0xFFFFFFC0]  }
0x66: {  	v5 =	vld.idx.msk [tilespmem:v3+s17+$0x0], $0xffff  }
0x67: {  	v4 =	vld.idx.msk [tilespmem:v3+s18+$0x0], $0xffff  }
0x68: {  	v3 =	vld.idx.msk [tilespmem:v3+s19+$0x0], $0xffff  }
0x69: {  	v16 =	vld [tilespmem:s6+$0xFFFFFFD0]  }
0x6a: {  	v17 =	vld [tilespmem:s1+$0xFFFFFFC0]  }
0x6b: {  	v18 =	vld [tilespmem:s6+$0xFFFFFFF0]  }
0x6c: {  	v21 =	vld [tilespmem:s6+$0xFFFFFFC0];
	v19 =	vsub.f32 v4, v6;
	v6 =	vsub.f32 v4, v8  }
0x6d: {  	v20 =	vld [tilespmem:s6+$0xFFFFFFE0];
	v11 =	vsub.f32 v5, v7;
	v14 =	vsub.f32 v3, v14  }
0x6e: {  	v22 =	vld [tilespmem:s1+$0xFFFFFFD0];
	v8 =	vsub.f32 v3, v15;
	v15 =	vsub.f32 v4, v10  }
0x6f: {  	v23 =	vld [tilespmem:s0+$0x30];
	v16 =	vsub.f32 v5, v16;
	v13 =	vsub.f32 v3, v13  }
0x70: {  	v25 =	vld [tilespmem:s1+$0x20];
	v7 =	vimm.f32 $+Inf;
	v24 =	vsub.f32 v3, v9;
	v18 =	vsub.f32 v5, v18  }
0x71: {  	v30 =	vld [tilespmem:s0+$0x0];
	v12 =	vsub.f32 v5, v12;
	v21 =	vsub.f32 v5, v21;
	v10 =	vmul.f32 v19, v19  }
0x72: {  	v31 =	vld [tilespmem:s1+$0x10];
	v26 =	vsub.f32 v4, v17;
	v9 =	vmul.f32 v14, v14;
	v14 =	vmul.f32 v15, v15  }
0x73: {  	v28 =	vsub.f32 v4, v22;
	v22 =	vld [tilespmem:s6+$0x20];
	v15 =	vmul.f32 v13, v13;
	v19 =	vmul.f32 v18, v18  }
0x74: {  	v13 =	vsub.f32 v5, v20;
	v12 =	vmul.f32 v12, v12;
	v18 =	vld [tilespmem:s6+$0x10];
	v17 =	vmul.f32 v24, v24  }
0x75: {  	v29 =	vsub.f32 v4, v25;
	v24 =	vmul.f32 v16, v16;
	v20 =	vld [tilespmem:s0+$0x20];
	v25 =	vmul.f32 v26, v26  }
0x76: {  	s15 =	simm.s32 $0xF440;
	s16 =	simm.s32 $0x0;
	v28 =	vmul.f32 v28, v28;
	v16 =	vld [tilespmem:s0+$0x10];
	v27 =	vmul.f32 v13, v13;
	v13 =	vsub.f32 v3, v23  }
0x77: {  	s29 =	simm.s32 $0xC0;
	v26 =	vmul.f32 v21, v21;
	v21 =	vld [tilespmem:s1+$0x30];
	s6 =	simm.s32 $0x20C0;
	s1 =	simm.s32 $0xF440;
	v23 =	vsub.f32 v3, v30;
	v30 =	vsub.f32 v4, v31  }
.LBB2_3:
0x78: {  	v31 =	vld [tilespmem:s6+$0xFFFFFFE0];
	s16 =	sadd.s32 $0x8, s16;
	v10 =	vadd.f32 v10, v27;
	v27 =	vmul.f32 v29, v29;
	v11 =	vmul.f32 v11, v11;
	s0 =	sadd.s32 $0x80, s0;
	s15 =	sadd.s32 $0x80, s15  }
0x79: {  	v24 =	vadd.f32 v28, v24;
	v29 =	vld [tilespmem:s29+$0x30];
	p0 =	slt.u32 s16, $0x1F8;
	v28 =	vmul.f32 v30, v30;
	v22 =	vsub.f32 v5, v22  }
0x7a: {  	v14 =	vadd.f32 v14, v19;
	v25 =	vadd.f32 v25, v26;
	v19 =	vmul.f32 v23, v23;
	v30 =	vld [tilespmem:s0+$0xFFFFFFF0]  }
0x7b: {  	v18 =	vsub.f32 v5, v18;
	v20 =	vsub.f32 v3, v20;
	v23 =	vld [tilespmem:s29+$0x0];
	v22 =	vmul.f32 v22, v22  }
0x7c: {  	v8 =	vmul.f32 v8, v8;
	v15 =	vadd.f32 v15, v10;
	v14 =	vadd.f32 v17, v14;
	v26 =	vld [tilespmem:s0+$0xFFFFFFE0]  }
0x7d: {  	v6 =	vmul.f32 v6, v6;
	v21 =	vsub.f32 v4, v21;
	v10 =	vsub.f32 v4, v31;
	v17 =	vld [tilespmem:s6+$0x0]  }
0x7e: {  	v9 =	vadd.f32 v9, v24;
	v18 =	vmul.f32 v18, v18;
	v22 =	vadd.f32 v27, v22;
	v31 =	vld [tilespmem:s6+$0xFFFFFFF0];
	[tilespmem:s1+$0xFFFFFFF0] =	vst v14  }
0x7f: {  	v6 =	vadd.f32 v6, v12;
	v12 =	vsub.f32 v3, v16;
	v16 =	vmul.f32 v21, v21;
	v24 =	vld [tilespmem:s0+$0xFFFFFFD0];
	[tilespmem:s1+$0xFFFFFFE0] =	vst v15  }
0x80: {  	v8 =	vadd.f32 v8, v25;
	v18 =	vadd.f32 v28, v18;
	v10 =	vmul.f32 v10, v10;
	v21 =	vld [tilespmem:s0+$0xFFFFFFC0];
	[tilespmem:s1+$0xFFFFFFD0] =	vst v9  }
0x81: {  	v13 =	vmul.f32 v13, v13;
	v19 =	vadd.f32 v19, v6;
	v20 =	vmul.f32 v20, v20;
	v25 =	vld [tilespmem:s29+$0xFFFFFFD0]  }
0x82: {  	v7 =	vmin.f32 v7, v8;
	v16 =	vadd.f32 v16, v11;
	v27 =	vld [tilespmem:s6+$0xFFFFFFC0];
	v6 =	vsub.f32 v4, v17;
	[tilespmem:s1+$0xFFFFFFC0] =	vst v8  }
0x83: {  	v7 =	vmin.f32 v7, v9;
	v20 =	vadd.f32 v20, v22;
	v11 =	vsub.f32 v5, v29;
	v17 =	vld [tilespmem:s29+$0xFFFFFFF0];
	[tilespmem:s1+$0x0] =	vst v19  }
0x84: {  	v12 =	vmul.f32 v12, v12;
	v7 =	vmin.f32 v7, v15;
	v9 =	vsub.f32 v3, v24;
	v22 =	vld [tilespmem:s29+$0xFFFFFFE0]  }
0x85: {  	v7 =	vmin.f32 v7, v14;
	v13 =	vadd.f32 v13, v16;
	v15 =	vld [tilespmem:s29+$0xFFFFFFC0];
	v8 =	vsub.f32 v3, v21;
	[tilespmem:s1+$0x20] =	vst v20  }
0x86: {  	v12 =	vadd.f32 v12, v18;
	v14 =	vsub.f32 v4, v31;
	v9 =	vmul.f32 v9, v9;
	v21 =	vld [tilespmem:s0+$0x30]  }
0x87: {  	v18 =	vsub.f32 v3, v26;
	v7 =	vmin.f32 v7, v19;
	v24 =	vsub.f32 v5, v25;
	v16 =	vld [tilespmem:s6+$0xFFFFFFD0];
	[tilespmem:s1+$0x30] =	vst v13  }
0x88: {  	v7 =	vmin.f32 v7, v12;
	v14 =	vmul.f32 v14, v14;
	v25 =	vsub.f32 v3, v30;
	v26 =	vld [tilespmem:s6+$0x20];
	[tilespmem:s1+$0x10] =	vst v12;
	s1 =	smov.u32 s15  }
0x89: {  	v7 =	vmin.f32 v7, v20;
	v12 =	vsub.f32 v5, v17;
	v17 =	vsub.f32 v5, v23;
	v30 =	vld [tilespmem:s0+$0x0]  }
0x8a: {  	v20 =	vsub.f32 v5, v22;
	v23 =	vsub.f32 v5, v15;
	v15 =	vmul.f32 v18, v18;
	v31 =	vld [tilespmem:s6+$0x10]  }
.Ltmp4:
0x8b: {  	v7 =	vmin.f32 v7, v13;
	v19 =	vmul.f32 v12, v12;
	v12 =	vmul.f32 v17, v17;
	v18 =	vld [tilespmem:s29+$0x10];
	(pc) =	sbr.rel @p0 .LBB2_3-.Ltmp4, $4  }
0x8c: {  	v13 =	vsub.f32 v4, v27;
	v17 =	vmul.f32 v25, v25;
	v16 =	vsub.f32 v4, v16;
	v22 =	vld [tilespmem:s29+$0x20]  }
0x8d: {  	v24 =	vmul.f32 v24, v24;
	v27 =	vmul.f32 v20, v20;
	v20 =	vld [tilespmem:s0+$0x20];
	v29 =	vsub.f32 v4, v26  }
0x8e: {  	v25 =	vmul.f32 v13, v13;
	v13 =	vsub.f32 v3, v21;
	v28 =	vmul.f32 v16, v16;
	v16 =	vld [tilespmem:s0+$0x10]  }
0x8f: {  	s29 =	sadd.s32 $0x80, s29;
	v26 =	vmul.f32 v23, v23;
	v23 =	vsub.f32 v3, v30;
	v30 =	vsub.f32 v4, v31;
	v21 =	vld [tilespmem:s6+$0x30];
	s6 =	sadd.s32 $0x80, s6  }
0x90: {  	v10 =	vadd.f32 v10, v27;
	v27 =	vmul.f32 v29, v29  }
0x91: {  	v11 =	vmul.f32 v11, v11;
	v24 =	vadd.f32 v28, v24;
	v14 =	vadd.f32 v14, v19  }
0x92: {  	v8 =	vmul.f32 v8, v8;
	v6 =	vmul.f32 v6, v6;
	v22 =	vsub.f32 v5, v22  }
0x93: {  	v13 =	vmul.f32 v13, v13;
	v25 =	vadd.f32 v25, v26;
	v5 =	vsub.f32 v5, v18  }
0x94: {  	v28 =	vmul.f32 v30, v30;
	v18 =	vsub.f32 v3, v20;
	v10 =	vadd.f32 v15, v10  }
0x95: {  	v14 =	vadd.f32 v17, v14;
	v9 =	vadd.f32 v9, v24;
	v17 =	vmul.f32 v23, v23  }
0x96: {  	v6 =	vadd.f32 v6, v12;
	v5 =	vmul.f32 v5, v5;
	v8 =	vadd.f32 v8, v25  }
0x97: {  	v19 =	vmul.f32 v22, v22;
	v3 =	vsub.f32 v3, v16;
	v4 =	vsub.f32 v4, v21  }
0x98: {  	v6 =	vadd.f32 v17, v6;
	v5 =	vadd.f32 v28, v5;
	v7 =	vmin.f32 v7, v8  }
0x99: {  	v3 =	vmul.f32 v3, v3;
	v4 =	vmul.f32 v4, v4;
	v7 =	vmin.f32 v7, v9  }
0x9a: {  	v12 =	vmul.f32 v18, v18;
	v15 =	vadd.f32 v27, v19;
	v7 =	vmin.f32 v7, v10  }
0x9b: {  	v3 =	vadd.f32 v3, v5;
	v4 =	vadd.f32 v4, v11;
	v7 =	vmin.f32 v7, v14  }
0x9c: {  	v5 =	vadd.f32 v12, v15;
	v7 =	vmin.f32 v7, v6  }
0x9d: {  	v4 =	vadd.f32 v13, v4;
	v7 =	vmin.f32 v7, v3  }
0x9e: {  	v7 =	vmin.f32 v7, v5  }
0x9f: {  	v7 =	vmin.f32 v7, v4  }
0xa0: {  	(xrf1) =	vsort.ascd.msk.f32 $0xffff, v7, v0;
	_ =	sdelay $0x1  }
0xa1: {  	[tilespmem:s1+$0xFFFFFFF0] =	vst v14  }
0xa2: {  	[tilespmem:s1+$0xFFFFFFE0] =	vst v10  }
0xa3: {  	[tilespmem:s1+$0xFFFFFFD0] =	vst v9  }
0xa4: {  	[tilespmem:s1+$0xFFFFFFC0] =	vst v8  }
0xa5: {  	[tilespmem:s1+$0x0] =	vst v6  }
0xa6: {  	[tilespmem:s1+$0x20] =	vst v5  }
0xa7: {  	[tilespmem:s1+$0x10] =	vst v3  }
0xa8: {  	s0 =	simm.s32 $0xF440;
	[tilespmem:s1+$0x30] =	vst v4  }
0xa9: {  	v7 =	vld [tilespmem:s0+$0xFFFFFFC0]  }
0xaa: {  	v10 =	vld [tilespmem:s0+$0xFFFFFFD0]  }
0xab: {  	v11 =	vld [tilespmem:s0+$0xFFFFFFE0]  }
0xac: {  	v17 =	vld [tilespmem:s0+$0xFFFFFFF0]  }
0xad: {  	v22 =	vld [tilespmem:s0+$0x0];
	v3, _, _ =	vpop (xrf1)  }
0xae: {  	v4 =	vld [tilespmem:s0+$0x10];
	v5 =	vbroadcast v3, $0xF  }
0xaf: {  	v6 =	vimm.s32 $0x0  }
0xb0: {  	vm6 =	vle.f32 v7, v5;
	vm5 =	vle.f32 v10, v5;
	vm3 =	vle.f32 v11, v5  }
0xb1: {  	v18 =	vld [tilespmem:s0+$0x30];
	vm0 =	vle.f32 v17, v5;
	v8 =	vsel vm6, $0x1, v1;
	v9 =	vmpcnt.ones.xlane vm6  }
0xb2: {  	vm1 =	vle.f32 v22, v5;
	v12 =	vsel vm5, $0x1, v1;
	v13 =	vmpcnt.ones.xlane vm5;
	(xrf0) =	vadd.scan.msk.s32 $0xffff, v8  }
0xb3: {  	v3 =	vld [tilespmem:s0+$0x20];
	vm8 =	vle.f32 v4, v5;
	v8 =	vmpcnt.ones.xlane vm3;
	v9 =	vadd.s32 v6, v9;
	(xrf0) =	vadd.scan.msk.s32 $0xffff, v12  }
0xb4: {  	v14 =	vmpcnt.ones.xlane vm0;
	v16 =	vmpcnt.ones.xlane vm8;
	v13 =	vadd.s32 v9, v13  }
0xb5: {  	v12 =	vadd.s32 v13, v8;
	v8 =	vmpcnt.ones.xlane vm1  }
0xb6: {  	vm4 =	vle.f32 v18, v5;
	v15 =	vsel vm3, $0x1, v1;
	v14 =	vadd.s32 v12, v14  }
0xb7: {  	v19 =	vsel vm0, $0x1, v1;
	v20 =	vsel vm1, $0x1, v1;
	(xrf0) =	vadd.scan.msk.s32 $0xffff, v15;
	v15 =	vadd.s32 v14, v8  }
0xb8: {  	v21 =	vsel vm8, $0x1, v1;
	vm7 =	vle.f32 v3, v5;
	(xrf0) =	vadd.scan.msk.s32 $0xffff, v19;
	v19 =	vadd.s32 v15, v16;
	v16, _, _ =	vpop (xrf0)  }
0xb9: {  	v23 =	vsel vm7, $0x1, v1;
	(xrf0) =	vadd.scan.msk.s32 $0xffff, v20;
	v8 =	vmpcnt.ones.xlane vm7;
	v6 =	vadd.s32 v16, v6;
	v16, _, _ =	vpop (xrf0)  }
0xba: {  	v20 =	vmpcnt.ones.xlane vm4;
	(xrf0) =	vadd.scan.msk.s32 $0xffff, v21;
	v25 =	vadd.s32 $0xFFFFFFFF, v6;
	v6 =	vadd.s32 v16, v9  }
0xbb: {  	v24 =	vsel vm4, $0x1, v1;
	v21 =	vadd.s32 v19, v8;
	(xrf0) =	vadd.scan.msk.s32 $0xffff, v23  }
0xbc: {  	s16 =	simm.s32 $0x30;
	s0 =	simm.s32 $0x70;
	v8 =	vadd.s32 v21, v20;
	(xrf0) =	vadd.scan.msk.s32 $0xffff, v24;
	v20 =	vadd.s32 $0xFFFFFFFF, v6  }
0xbd: {  	v29 =	vor.u32 s16, v0;
	s1 =	simm.s32 $0xF4C0;
	v28 =	vor.u32 s0, v0;
	v6, _, _ =	vpop (xrf0)  }
0xbe: {  	s6 =	simm.s32 $0x0;
	vm11 =	vmmov vm0;
	vm2 =	vmmov vm1;
	v9 =	vadd.s32 v6, v13;
	v13, _, _ =	vpop (xrf0);
	v6 =	vld [tilespmem:s1+$0xFFFFFFC0]  }
0xbf: {  	v16 =	vor.u32 s6, v0;
	v23 =	vadd.s32 $0xFFFFFFFF, v9;
	v12 =	vadd.s32 v13, v12;
	v13, _, _ =	vpop (xrf0);
	[tilespmem:v25+s20+$0x0] =	vst.idx.msk vm6, v7;
	v9 =	vld [tilespmem:s1+$0xFFFFFFD0]  }
0xc0: {  	s29 =	simm.s32 $0x10;
	vm0 =	vmmov vm7;
	v7 =	vld [tilespmem:s1+$0xFFFFFFE0];
	v27 =	vadd.s32 $0xFFFFFFFF, v12;
	v12 =	vadd.s32 v13, v14;
	v13, _, _ =	vpop (xrf0);
	[tilespmem:v25+s21+$0x0] =	vst.idx.msk vm6, v16  }
0xc1: {  	s15 =	simm.s32 $0x20;
	v14 =	vor.u32 s29, v0;
	[tilespmem:v20+s20+$0x0] =	vst.idx.msk vm5, v10;
	v10 =	vld [tilespmem:s1+$0xFFFFFFF0];
	v16 =	vadd.s32 $0xFFFFFFFF, v12;
	v12 =	vadd.s32 v13, v15;
	v13, _, _ =	vpop (xrf0)  }
0xc2: {  	v25 =	vor.u32 s15, v0;
	v15 =	vadd.s32 $0xFFFFFFFF, v12;
	v12 =	vadd.s32 v13, v19;
	v19, _, _ =	vpop (xrf0);
	v13 =	vld [tilespmem:s1+$0x0]  }
0xc3: {  	[tilespmem:v20+s21+$0x0] =	vst.idx.msk vm5, v14;
	v14 =	vadd.s32 $0xFFFFFFFF, v12;
	v19 =	vadd.s32 v19, v21;
	vm6 =	vle.f32 v6, v5;
	v12 =	vld [tilespmem:s1+$0x10]  }
0xc4: {  	[tilespmem:v23+s20+$0x0] =	vst.idx.msk vm3, v11;
	v30 =	vadd.s32 $0xFFFFFFFF, v19;
	v21 =	vmpcnt.ones.xlane vm6;
	vm5 =	vle.f32 v9, v5;
	v11 =	vld [tilespmem:s1+$0x20]  }
0xc5: {  	v20 =	vsel vm6, $0x1, v1;
	[tilespmem:v23+s21+$0x0] =	vst.idx.msk vm3, v25;
	v25 =	vmpcnt.ones.xlane vm5;
	vm3 =	vle.f32 v7, v5  }
0xc6: {  	vm1 =	vmmov vm8;
	v19 =	vld [tilespmem:s1+$0x30];
	(xrf0) =	vadd.scan.msk.s32 $0xffff, v20;
	v26 =	vadd.s32 v8, v21;
	v20 =	vmpcnt.ones.xlane vm3  }
0xc7: {  	v23 =	vsel vm5, $0x1, v1;
	vm10 =	vle.f32 v10, v5;
	[tilespmem:v27+s20+$0x0] =	vst.idx.msk vm11, v17;
	v25 =	vadd.s32 v26, v25  }
0xc8: {  	(xrf0) =	vadd.scan.msk.s32 $0xffff, v23;
	v23 =	vmpcnt.ones.xlane vm10;
	vm9 =	vle.f32 v13, v5;
	v21 =	vadd.s32 v25, v20  }
0xc9: {  	v17 =	vmpcnt.ones.xlane vm9;
	vm8 =	vle.f32 v12, v5;
	[tilespmem:v30+s20+$0x0] =	vst.idx.msk vm4, v18;
	vm7 =	vle.f32 v11, v5  }
0xca: {  	s29 =	simm.s32 $0x40;
	v20 =	vadd.s32 v21, v23;
	v23 =	vmpcnt.ones.xlane vm8;
	[tilespmem:v30+s21+$0x0] =	vst.idx.msk vm4, v28;
	v28 =	vmpcnt.ones.xlane vm7  }
0xcb: {  	v24 =	vor.u32 s29, v0;
	[tilespmem:v27+s21+$0x0] =	vst.idx.msk vm11, v29;
	v18 =	vadd.s32 v20, v17;
	vm4 =	vle.f32 v19, v5  }
0xcc: {  	v29 =	vsel vm3, $0x1, v1;
	[tilespmem:v16+s20+$0x0] =	vst.idx.msk vm2, v22;
	v17 =	vadd.s32 v18, v23;
	v23 =	vmpcnt.ones.xlane vm4  }
0xcd: {  	v32 =	vsel vm10, $0x1, v1;
	v31 =	vsel vm8, $0x1, v1;
	v27, _, _ =	vpop (xrf0);
	(xrf0) =	vadd.scan.msk.s32 $0xffff, v29;
	v22 =	vadd.s32 v17, v28  }
0xce: {  	s15 =	simm.s32 $0x8;
	v30 =	vsel vm9, $0x1, v1;
	v29 =	vsel vm7, $0x1, v1;
	(xrf0) =	vadd.scan.msk.s32 $0xffff, v32;
	v23 =	vadd.s32 v22, v23;
	v28, _, _ =	vpop (xrf0)  }
.LBB2_5:
0xcf: {  	s15 =	sadd.s32 $0x8, s15;
	v32 =	vadd.s32 v27, v8;
	v26 =	vadd.s32 v28, v26;
	v27 =	vsel vm4, $0x1, v1;
	(xrf0) =	vadd.scan.msk.s32 $0xffff, v30;
	v28 =	vmovc v13  }
0xd0: {  	s6 =	sadd.s32 $0xFFFFFFE0, s0;
	v30 =	vmovc v19;
	p0 =	slt.u32 s15, $0x1F8;
	v13 =	vadd.s32 $0xFFFFFFFF, v32;
	v26 =	vadd.s32 $0xFFFFFFFF, v26;
	(xrf0) =	vadd.scan.msk.s32 $0xffff, v31;
	[tilespmem:v16+s21+$0x0] =	vst.idx.msk vm2, v24  }
0xd1: {  	v8 =	vmovc v23;
	v16 =	vor.u32 s6, v0;
	(xrf0) =	vadd.scan.msk.s32 $0xffff, v29;
	[tilespmem:v15+s20+$0x0] =	vst.idx.msk vm1, v4;
	v4 =	vmov v12  }
0xd2: {  	vm11 =	vmmov vm10;
	s6 =	sadd.s32 $0xFFFFFFF0, s0;
	vm2 =	vmmov vm9;
	(xrf0) =	vadd.scan.msk.s32 $0xffff, v27;
	[tilespmem:v15+s21+$0x0] =	vst.idx.msk vm1, v16  }
0xd3: {  	s0 =	sadd.s32 $0x80, s0;
	v15 =	vor.u32 s6, v0;
	vm1 =	vmmov vm8;
	v12, _, _ =	vpop (xrf0);
	[tilespmem:v14+s20+$0x0] =	vst.idx.msk vm0, v3;
	v3 =	vmov v11  }
0xd4: {  	s1 =	sadd.s32 $0x80, s1;
	s6 =	sadd.s32 $0xFFFFFF90, s0;
	v11 =	vadd.s32 v12, v25;
	v12, _, _ =	vpop (xrf0);
	[tilespmem:v14+s21+$0x0] =	vst.idx.msk vm0, v15;
	vm0 =	vmmov vm7  }
0xd5: {  	v14 =	vor.u32 s6, v0;
	[tilespmem:v13+s20+$0x0] =	vst.idx.msk vm6, v6;
	v6 =	vld [tilespmem:s1+$0xFFFFFFC0];
	v19 =	vadd.s32 $0xFFFFFFFF, v11;
	v11 =	vadd.s32 v12, v21;
	v12, _, _ =	vpop (xrf0)  }
0xd6: {  	v29 =	vor.u32 s0, v0;
	s6 =	sadd.s32 $0xFFFFFFA0, s0;
	v21 =	vld [tilespmem:s1+$0xFFFFFFD0];
	[tilespmem:v13+s21+$0x0] =	vst.idx.msk vm6, v14;
	v27 =	vadd.s32 $0xFFFFFFFF, v11;
	v11 =	vadd.s32 v12, v20;
	v12, _, _ =	vpop (xrf0)  }
0xd7: {  	v20 =	vld [tilespmem:s1+$0xFFFFFFE0];
	[tilespmem:v26+s20+$0x0] =	vst.idx.msk vm5, v9;
	v9 =	vor.u32 s6, v0;
	s6 =	sadd.s32 $0xFFFFFFB0, s0;
	v16 =	vadd.s32 $0xFFFFFFFF, v11;
	v11 =	vadd.s32 v12, v18;
	v12, _, _ =	vpop (xrf0)  }
0xd8: {  	v32 =	vld [tilespmem:s1+$0xFFFFFFF0];
	[tilespmem:v26+s21+$0x0] =	vst.idx.msk vm5, v9;
	v9 =	vor.u32 s6, v0;
	s6 =	sadd.s32 $0xFFFFFFC0, s0;
	v15 =	vadd.s32 $0xFFFFFFFF, v11;
	v11 =	vadd.s32 v12, v17;
	v12, _, _ =	vpop (xrf0)  }
0xd9: {  	v13 =	vld [tilespmem:s1+$0x0];
	v17 =	vor.u32 s6, v0;
	s6 =	sadd.s32 $0xFFFFFFD0, s0;
	v14 =	vadd.s32 $0xFFFFFFFF, v11;
	v11 =	vadd.s32 v12, v22  }
0xda: {  	vm6 =	vle.f32 v6, v5;
	v12 =	vld [tilespmem:s1+$0x10];
	[tilespmem:v19+s20+$0x0] =	vst.idx.msk vm3, v7;
	v24 =	vor.u32 s6, v0;
	v18 =	vadd.s32 $0xFFFFFFFF, v11  }
0xdb: {  	v26 =	vsel vm6, $0x1, v1;
	v22 =	vmpcnt.ones.xlane vm6;
	vm5 =	vle.f32 v21, v5;
	v11 =	vld [tilespmem:s1+$0x20];
	[tilespmem:v19+s21+$0x0] =	vst.idx.msk vm3, v9;
	v9 =	vmovc v21  }
0xdc: {  	v21 =	vsel vm5, $0x1, v1;
	v25 =	vmpcnt.ones.xlane vm5;
	vm3 =	vle.f32 v20, v5;
	v19 =	vld [tilespmem:s1+$0x30];
	(xrf0) =	vadd.scan.msk.s32 $0xffff, v26;
	v7 =	vmovc v20  }
0xdd: {  	v26 =	vadd.s32 v23, v22;
	v20 =	vmpcnt.ones.xlane vm3;
	vm10 =	vle.f32 v32, v5;
	(xrf0) =	vadd.scan.msk.s32 $0xffff, v21  }
0xde: {  	v25 =	vadd.s32 v26, v25;
	v22 =	vmpcnt.ones.xlane vm10;
	vm9 =	vle.f32 v13, v5;
	[tilespmem:v27+s20+$0x0] =	vst.idx.msk vm11, v10  }
0xdf: {  	v21 =	vadd.s32 v25, v20;
	v10 =	vmpcnt.ones.xlane vm9;
	vm8 =	vle.f32 v12, v5;
	[tilespmem:v18+s20+$0x0] =	vst.idx.msk vm4, v30  }
.Ltmp5:
0xe0: {  	v20 =	vadd.s32 v21, v22;
	v22 =	vmpcnt.ones.xlane vm8;
	vm7 =	vle.f32 v11, v5;
	[tilespmem:v18+s21+$0x0] =	vst.idx.msk vm4, v29;
	(pc) =	sbr.rel @p0 .LBB2_5-.Ltmp5, $4  }
0xe1: {  	v18 =	vadd.s32 v20, v10;
	v35 =	vmpcnt.ones.xlane vm7;
	vm4 =	vle.f32 v19, v5;
	[tilespmem:v27+s21+$0x0] =	vst.idx.msk vm11, v17  }
0xe2: {  	v23 =	vsel vm3, $0x1, v1;
	v17 =	vadd.s32 v18, v22;
	v33 =	vmpcnt.ones.xlane vm4;
	v27, _, _ =	vpop (xrf0);
	[tilespmem:v16+s20+$0x0] =	vst.idx.msk vm2, v28  }
0xe3: {  	v34 =	vsel vm10, $0x1, v1;
	v30 =	vsel vm9, $0x1, v1;
	v22 =	vadd.s32 v17, v35;
	v28, _, _ =	vpop (xrf0);
	(xrf0) =	vadd.scan.msk.s32 $0xffff, v23  }
0xe4: {  	v31 =	vsel vm8, $0x1, v1;
	v29 =	vsel vm7, $0x1, v1;
	v10 =	vmovc v32;
	v23 =	vadd.s32 v22, v33;
	(xrf0) =	vadd.scan.msk.s32 $0xffff, v34  }
0xe5: {  	_ =	sdelay $0x2  }
0xe6: {  	(xrf0) =	vadd.scan.msk.s32 $0xffff, v30  }
0xe7: {  	v5 =	vsel vm4, $0x1, v1;
	v8 =	vadd.s32 v27, v8;
	(xrf0) =	vadd.scan.msk.s32 $0xffff, v31  }
0xe8: {  	[tilespmem:v16+s21+$0x0] =	vst.idx.msk vm2, v24;
	s1 =	sadd.s32 $0xFFFFFFE0, s0;
	v55 =	vadd.s32 v28, v26;
	(v2sf) =	vpush v23, $0x0;
	(xrf0) =	vadd.scan.msk.s32 $0xffff, v29  }
0xe9: {  	[tilespmem:v15+s20+$0x0] =	vst.idx.msk vm1, v4;
	v4 =	vor.u32 s1, v0;
	v16 =	vadd.s32 $0xFFFFFFFF, v55;
	(xrf0) =	vadd.scan.msk.s32 $0xffff, v5  }
0xea: {  	v5 =	vadd.s32 $0xFFFFFFFF, v8;
	v54, _, _ =	vpop (xrf0)  }
0xeb: {  	s15 =	sadd.s32 $0xFFFFFFF0, s0;
	[tilespmem:v14+s20+$0x0] =	vst.idx.msk vm0, v3;
	v56, _, _ =	vpop (xrf0)  }
0xec: {  	v3 =	vor.u32 s15, v0;
	[tilespmem:v15+s21+$0x0] =	vst.idx.msk vm1, v4;
	v8 =	vadd.s32 v54, v25;
	v4, _, _ =	vpop (xrf0)  }
0xed: {  	s0 =	sadd.s32 $0x80, s0;
	[tilespmem:v14+s21+$0x0] =	vst.idx.msk vm0, v3;
	v3 =	vadd.s32 $0xFFFFFFFF, v8;
	v57, _, _ =	vpop (xrf0)  }
0xee: {  	s16 =	sadd.s32 $0xFFFFFF90, s0;
	[tilespmem:v16+s20+$0x0] =	vst.idx.msk vm5, v9;
	v4 =	vadd.s32 v4, v20;
	v58, _, _ =	vpop (xrf0)  }
0xef: {  	s29 =	sadd.s32 $0xFFFFFFA0, s0;
	v59 =	vadd.s32 v56, v21;
	[tilespmem:v5+s20+$0x0] =	vst.idx.msk vm6, v6;
	v6 =	vor.u32 s16, v0;
	v4 =	vadd.s32 $0xFFFFFFFF, v4;
	v60, _, _ =	vpop (xrf0)  }
0xf0: {  	v61 =	vor.u32 s29, v0;
	[tilespmem:v5+s21+$0x0] =	vst.idx.msk vm6, v6;
	v5 =	vadd.s32 $0xFFFFFFFF, v59;
	v6 =	vadd.s32 v60, v22  }
0xf1: {  	s6 =	sadd.s32 $0xFFFFFFB0, s0;
	[tilespmem:v16+s21+$0x0] =	vst.idx.msk vm5, v61;
	v6 =	vadd.s32 $0xFFFFFFFF, v6  }
0xf2: {  	v62 =	vor.u32 s6, v0;
	[tilespmem:v3+s20+$0x0] =	vst.idx.msk vm3, v7  }
0xf3: {  	[tilespmem:v3+s21+$0x0] =	vst.idx.msk vm3, v62  }
0xf4: {  	v3 =	vadd.s32 v57, v18;
	[tilespmem:v4+s20+$0x0] =	vst.idx.msk vm9, v13  }
0xf5: {  	v3 =	vadd.s32 $0xFFFFFFFF, v3;
	[tilespmem:v5+s20+$0x0] =	vst.idx.msk vm10, v10  }
0xf6: {  	s15 =	sadd.s32 $0xFFFFFFC0, s0;
	v8 =	vadd.s32 v58, v17;
	v7 =	vor.u32 s0, v0;
	[tilespmem:v6+s20+$0x0] =	vst.idx.msk vm4, v19  }
0xf7: {  	v63 =	vor.u32 s15, v0;
	s16 =	sadd.s32 $0xFFFFFFD0, s0;
	s6 =	spop (v2sf);
	[tilespmem:v6+s21+$0x0] =	vst.idx.msk vm4, v7;
	v6 =	vadd.s32 $0xFFFFFFFF, v8  }
0xf8: {  	[tilespmem:v5+s21+$0x0] =	vst.idx.msk vm10, v63;
	v5 =	vor.u32 s16, v0;
	s1 =	sadd.s32 $0xF, s6  }
0xf9: {  	s29 =	sadd.s32 $0xFFFFFFE0, s0;
	[tilespmem:v4+s21+$0x0] =	vst.idx.msk vm9, v5;
	p0 =	slt.s32 s1, $0x10  }
.Ltmp6:
0xfa: {  	v4 =	vor.u32 s29, v0;
	[tilespmem:v3+s20+$0x0] =	vst.idx.msk vm8, v12;
	(pc) =	sbr.rel @p0 .LBB2_10-.Ltmp6, $4  }
0xfb: {  	s0 =	sadd.s32 $0xFFFFFFF0, s0;
	[tilespmem:v3+s21+$0x0] =	vst.idx.msk vm8, v4  }
0xfc: {  	v3 =	vor.u32 s0, v0;
	[tilespmem:v6+s20+$0x0] =	vst.idx.msk vm7, v11  }
0xfd: {  	vm12 =	vmmov vm10;
	vm13 =	vmmov vm9;
	v4 =	vimm.f32 $+Inf;
	[tilespmem:v6+s21+$0x0] =	vst.idx.msk vm7, v3  }
0xfe: {  	vm14 =	vmmov vm8;
	vm15 =	vmmov vm7;
	v3 =	vlaneseq.u32;
	[tilespmem:s6+$0xB300] =	vst v4  }
0xff: {  	s0 =	simm.s32 $0xB300  }
0x100: {  	v5 =	vld [tilespmem:s0+$0x0];
	_ =	sdelay $0x4  }
0x101: {  	vm0 =	vlt.f32 v5, v4  }
0x102: {  	v6 =	vsel vm0, $0x3F800000, v2  }
0x103: {  	(xrf0) =	vmax.scan.msk.f32 $0xffff, v6;
	_ =	sdelay $0x5  }
0x104: {  	v6, _, _ =	vpop (xrf0)  }
0x105: {  	(v2sf) =	vpush v6, $0xF;
	_ =	sdelay $0xe  }
0x106: {  	s16 =	spop (v2sf)  }
0x107: {  	p0 =	sgt.f32 s16, $0.0e+00  }
0x108: {  	s0 =	simm.s32 $0xD380  }
0x109: {  	v6 =	vld @p0 [tilespmem:s0+$0x0];
	_ =	sdelay $0x4  }
0x10a: {  	(xrf1) =	vsort.ascd.msk.f32 @p0 $0xffff, v5, v6;
	_ =	sdelay $0x8  }
0x10b: {  	v5 =	vlaneseq.u32 @p0  }
0x10c: {  	v5 =	vmul.u32 @p0 $0xFFFFFFFF, v5;
	_ =	sdelay $0x1  }
0x10d: {  	v5 =	vadd.s32 @p0 $0xF, v5  }
0x10e: {  	v6 =	vperm.xlane @p0 v4, v5  }
0x10f: {  	v5 =	vperm.xlane @p0 v3, v5;
	v7, v8, _ =	vpop @p0 (xrf1)  }
0x110: {  	vm0 =	vlt.f32 @p0 v7, v6  }
0x111: {  	v6 =	vsel @p0 vm0, v7, v6;
	v5 =	vsel @p0 vm0, v8, v5  }
0x112: {  	(xrf1) =	vsort.ascd.msk.f32 @p0 $0xffff, v6, v5;
	_ =	sdelay $0x2  }
0x113: {  	s6 =	sshra.s32 s1, $0x1F  }
0x114: {  	s6 =	sshrl.u32 s6, $0x1C  }
0x115: {  	s29 =	sadd.s32 s6, s1  }
0x116: {  	s1 =	sshra.s32 s29, $0x4  }
0x117: {  	s1 =	sadd.s32 $0xFFFFFFFF, s1  }
0x118: {  	p1 =	sne.s32 s1, $0x0  }
.Ltmp7:
0x119: {  	_ = 	snop;
	(pc) =	sbr.rel @!p1 .LBB2_9-.Ltmp7, $2  }
0x11a: {  	_ =	sdelay $0x2  }
0x11b: {  	s6 =	simm.s32 $0xB310;
	v5 =	vimm.f32 $+Inf  }
.LBB2_8:
0x11c: {  	v6 =	vld [tilespmem:s6+$0x0];
	s1 =	sadd.s32 $0xFFFFFFFF, s1  }
0x11d: {  	p1 =	sne.s32 s1, $0x0;
	v7, v8, _ =	vpop @p0 (xrf1)  }
0x11e: {  	v9 =	vbroadcast @p0 v7, $0xF;
	v4 =	vpsel p0, v7, v4;
	v3 =	vpsel p0, v8, v3;
	_ =	sdelay $0x1  }
0x11f: {  	v5 =	vpsel p0, v9, v5  }
0x120: {  	vm0 =	vlt.f32 v6, v5  }
0x121: {  	v7 =	vsel vm0, $0x3F800000, v2  }
0x122: {  	(xrf0) =	vmax.scan.msk.f32 $0xffff, v7;
	_ =	sdelay $0x5  }
0x123: {  	v7, _, _ =	vpop (xrf0)  }
0x124: {  	(v2sf) =	vpush v7, $0xF;
	_ =	sdelay $0xe  }
0x125: {  	s15 =	spop (v2sf)  }
0x126: {  	p0 =	sgt.f32 s15, $0.0e+00  }
0x127: {  	s0 =	sadd.s32 $0x10, s0  }
0x128: {  	v7 =	vld @p0 [tilespmem:s0+$0x0];
	_ =	sdelay $0x4  }
0x129: {  	(xrf1) =	vsort.ascd.msk.f32 @p0 $0xffff, v6, v7;
	_ =	sdelay $0x8  }
0x12a: {  	v6 =	vlaneseq.u32 @p0  }
0x12b: {  	v6 =	vmul.u32 @p0 $0xFFFFFFFF, v6;
	_ =	sdelay $0x1  }
0x12c: {  	v6 =	vadd.s32 @p0 $0xF, v6  }
0x12d: {  	v7 =	vperm.xlane @p0 v4, v6  }
0x12e: {  	v6 =	vperm.xlane @p0 v3, v6;
	v8, v9, _ =	vpop @p0 (xrf1)  }
0x12f: {  	vm0 =	vlt.f32 @p0 v8, v7  }
0x130: {  	v7 =	vsel @p0 vm0, v8, v7;
	v6 =	vsel @p0 vm0, v9, v6  }
0x131: {  	(xrf1) =	vsort.ascd.msk.f32 @p0 $0xffff, v7, v6;
	_ =	sdelay $0x7  }
.Ltmp8:
0x132: {  	(pc) =	sbr.rel @p1 .LBB2_8-.Ltmp8, $2  }
0x133: {  	_ =	sdelay $0x2  }
0x134: {  	s6 =	sadd.s32 $0x10, s6  }
.Ltmp9:
0x135: {  	_ = 	snop;
	(pc) =	sbr.rel .LBB2_9-.Ltmp9, $1  }
0x136: {  	_ =	sdelay $0x3  }
.LBB2_12:
0x137: {  	_ =	sfence.sel $0x180000  }
0x138: {  	[bflag:$0x0] =	sbarrier.arrive $0xFFFF  }
0x139: {  	_ =	strace $0x90000047  }
0x13a: {  	s0 =	stileid.u32;
	[bflag:$0x2] =	sbarrier.arrive $0xFFFF  }
0x13b: {  	p0 =	sne.s32 s0, $0x0;
	s0 =	rddreg [dreg:$0x3]  }
0x13c: {  	s0 =	sadd.s32 @!p0 $0x100000, s0  }
0x13d: {  	[sflag:s0] =	ssyncadd.tile.s32 @!p0 $0x1;
	_ =	shalt  }
.Lfunc_end2:
_tile_overlayer_lowered:
.L_overlay_start_2:
0x13e: {  	(tag) =	ssettag $0x2  }
0x13f: {  	s0 =	rddreg [dreg:$0x0];
	s2 =	stileid.u32  }
0x140: {  	s1 =	rddreg [dreg:$0x1];
	p0 =	sne.s32 s2, $0x0  }
0x141: {  	s3 =	rddreg [dreg:$0x2];
	[bflag:$0x3] =	sbarrier.arrive $0xFFFF;
	s2 =	simm.s32 @!p0 $0x1C02  }
0x142: {  	[timem:s3], [sflag:s2] =	dma.local @!p0 [hbm:s0], s1  }
0x143: {  	s0 =	simm.s32 @!p0 $0x2  }
0x144: {  	_ =	swait.ge @!p0 [sflag:s0], s1  }
0x145: {  	s1 =	ssub.s32 @!p0 $0x0, s1;
	[sflag:s0] =	ssyncset.done @!p0 $0x0  }
0x146: {  	[sflag:s0] =	ssyncadd.s32 @!p0 s1  }
0x147: {  	[bflag:$0x3] =	sbarrier.arrive $0xFFFF  }
0x148: {  	_ =	shalt  }

</sc_bundles>
